<compile_context>
chip_gen: v7x
topology: tpu7x:2x2x1
jax: 0.10.2.dev20260603
libtpu: 0.0.44.dev20260713+nightly
codegen_flags: <defaults>
</compile_context>

<pallas_src>
import functools

import jax
import jax.numpy as jnp
from jax import lax
from jax.experimental import pallas as pl
from jax.experimental.pallas import tpu as pltpu
from jax.experimental.pallas import tpu_sc as plsc

D = 64
B = 4096
REL = 1000
MARGIN = 1.0

_info = plsc.get_sparse_core_info()
NC = _info.num_cores
NS = _info.num_subcores
NW = NC * NS
RPW = B // NW

TB = 256
NT = B // TB



def _sc_gather_body(ph, pt, pr, nh, nt, nr, ent, rel, out,
                    bph, bpt, bnh, bnt, bpr, bnr,
                    g0, g1, g2, g3, g4, g5, sem):
    c = lax.axis_index("c")
    s = lax.axis_index("s")
    wid = s * NC + c
    base = wid * RPW

    pltpu.sync_copy(ph.at[pl.ds(base, RPW)], bph)
    pltpu.sync_copy(pt.at[pl.ds(base, RPW)], bpt)
    pltpu.sync_copy(nh.at[pl.ds(base, RPW)], bnh)
    pltpu.sync_copy(nt.at[pl.ds(base, RPW)], bnt)
    pltpu.sync_copy(pr.at[pl.ds(base, RPW)], bpr)
    pltpu.sync_copy(nr.at[pl.ds(base, RPW)], bnr)

    CH = 16
    cps = []
    for ci in range(RPW // CH):
        c0 = ci * CH
        sl = pl.ds(c0, CH)
        cps += [
            pltpu.async_copy(ent.at[bph.at[sl]], g0.at[sl], sem),
            pltpu.async_copy(ent.at[bpt.at[sl]], g1.at[sl], sem),
            pltpu.async_copy(ent.at[bnh.at[sl]], g2.at[sl], sem),
            pltpu.async_copy(ent.at[bnt.at[sl]], g3.at[sl], sem),
            pltpu.async_copy(rel.at[bpr.at[sl]], g4.at[sl], sem),
            pltpu.async_copy(rel.at[bnr.at[sl]], g5.at[sl], sem),
        ]
    for cp in cps:
        cp.wait()

    pltpu.sync_copy(g0, out.at[0, pl.ds(base, RPW)])
    pltpu.sync_copy(g1, out.at[1, pl.ds(base, RPW)])
    pltpu.sync_copy(g2, out.at[2, pl.ds(base, RPW)])
    pltpu.sync_copy(g3, out.at[3, pl.ds(base, RPW)])
    pltpu.sync_copy(g4, out.at[4, pl.ds(base, RPW)])
    pltpu.sync_copy(g5, out.at[5, pl.ds(base, RPW)])


_sc_gather = functools.partial(
    pl.kernel,
    out_type=jax.ShapeDtypeStruct((6, B, D), jnp.float32),
    mesh=plsc.VectorSubcoreMesh(core_axis_name="c", subcore_axis_name="s"),
    compiler_params=pltpu.CompilerParams(use_tc_tiling_on_sc=False),
    scratch_types=(
        [pltpu.VMEM((RPW,), jnp.int32) for _ in range(6)] +
        [pltpu.VMEM((RPW, D), jnp.float32) for _ in range(6)] +
        [pltpu.SemaphoreType.DMA]
    ),
)(_sc_gather_body)



def _tc_body(prel, nrel, g, tr, rm, sm, l1m, out):
    i = pl.program_id(0)
    f = l1m[0, 0]
    t_tab = tr[...]
    rmat = rm[...]
    smat = sm[...]

    def gather_mats(rcol):
        g1h = (lax.broadcasted_iota(jnp.int32, (TB, REL), 1)
               == rcol).astype(jnp.float32)
        return jnp.dot(g1h, t_tab, preferred_element_type=jnp.float32)

    def project(e, mg):
        erep = jnp.dot(e, rmat, preferred_element_type=jnp.float32)
        return jnp.dot(erep * mg, smat, preferred_element_type=jnp.float32)

    def norm(v):
        ss = jnp.maximum(jnp.sum(v * v, axis=1, keepdims=True),
                         jnp.float32(1e-12))
        return v * lax.rsqrt(ss)

    def half_score(rcol, eh, et, er):
        mg = gather_mats(rcol)
        dvec = norm(project(eh, mg)) + er - norm(project(et, mg))
        d1 = jnp.sum(jnp.abs(dvec), axis=1, keepdims=True)
        d2 = jnp.sum(dvec * dvec, axis=1, keepdims=True)
        return f * d1 + (1.0 - f) * d2

    gv = g[...]
    pos = half_score(prel[...], gv[0], gv[1], gv[4])
    neg = half_score(nrel[...], gv[2], gv[3], gv[5])
    tile_sum = jnp.sum(jnp.maximum(pos - neg + MARGIN, 0.0),
                       keepdims=True).reshape(1, 1)
    prev = jnp.where(i == 0, jnp.zeros((1, 1), jnp.float32), out[...])
    out[...] = prev + tile_sum


def _tc_call(prel, nrel, gath, transfer, rmat, smat, l1m):
    res = pl.pallas_call(
        _tc_body,
        grid=(NT,),
        in_specs=[
            pl.BlockSpec((TB, 1), lambda i: (i, 0)),
            pl.BlockSpec((TB, 1), lambda i: (i, 0)),
            pl.BlockSpec((6, TB, D), lambda i: (0, i, 0)),
            pl.BlockSpec((REL, D * D), lambda i: (0, 0)),
            pl.BlockSpec((D, D * D), lambda i: (0, 0)),
            pl.BlockSpec((D * D, D), lambda i: (0, 0)),
            pl.BlockSpec((1, 1), lambda i: (0, 0)),
        ],
        out_specs=pl.BlockSpec((1, 1), lambda i: (0, 0)),
        out_shape=jax.ShapeDtypeStruct((1, 1), jnp.float32),
    )(prel, nrel, gath, transfer, rmat, smat, l1m)
    return res[0, 0]


def kernel(x, ent_emb, rel_emb, transfer, l1_flag):
    ph = x[:, 0]
    pt = x[:, 1]
    pr = x[:, 2]
    nh = x[:, 3]
    nt = x[:, 4]
    nr = x[:, 5]

    gath = _sc_gather(ph, pt, pr, nh, nt, nr, ent_emb, rel_emb)

    cols = jnp.arange(D * D, dtype=jnp.int32)
    dd = jnp.arange(D, dtype=jnp.int32)
    rmat = (cols[None, :] // D == dd[:, None]).astype(jnp.float32)
    smat = (cols[:, None] % D == dd[None, :]).astype(jnp.float32)
    l1m = jnp.asarray(l1_flag, jnp.float32).reshape(1, 1)

    return _tc_call(pr.reshape(B, 1), nr.reshape(B, 1), gath,
                    transfer, rmat, smat, l1m)

# --- scband reference (transcript-rebuilt; emitter-appended) ---
"""Pipeline reference for scband-trasn-r-30940944400733 (READ-ONLY COPY).

The authoritative reference and input builder live on the scoring server;
editing this copy changes nothing except your own understanding.
"""

import jax, jax.numpy as jnp
import numpy as np

ENTITY_TOTAL = 1000000
REL_TOTAL = 1000
D_ENT = 64
D_REL = 64
B = 4096
MARGIN = 1.0


def _l2_normalize(v, axis=1, eps=1e-12):
    return v / jnp.sqrt(jnp.maximum(jnp.sum(v * v, axis=axis, keepdims=True), eps))


def setup_inputs(seed: int = 0) -> dict:
    key = jax.random.key(seed)
    k1, k2, k3, k4, k5 = jax.random.split(key, 5)
    ent_ids = jax.random.randint(k1, (B, 4), 0, ENTITY_TOTAL, dtype=jnp.int32)
    rel_ids = jax.random.randint(k2, (B, 2), 0, REL_TOTAL, dtype=jnp.int32)
    # columns: pos_h, pos_t, pos_r, neg_h, neg_t, neg_r
    x = jnp.stack([ent_ids[:, 0], ent_ids[:, 1], rel_ids[:, 0],
                   ent_ids[:, 2], ent_ids[:, 3], rel_ids[:, 1]], axis=1)
    ent_emb = jax.random.normal(k3, (ENTITY_TOTAL, D_ENT), dtype=jnp.float32) * 0.05
    rel_emb = jax.random.normal(k4, (REL_TOTAL, D_REL), dtype=jnp.float32) * 0.05
    transfer = jax.random.normal(k5, (REL_TOTAL, D_ENT * D_REL), dtype=jnp.float32) * 0.02
    return {"x": x, "ent_emb": ent_emb, "rel_emb": rel_emb, "transfer": transfer, "l1_flag": True}


def reference(x, ent_emb, rel_emb, transfer, l1_flag=True):
    def _transfer(e, r_id):
        # per-relation projection matrix: gather + reshape to [B, D_ENT, D_REL]
        M = jnp.take(transfer, r_id, axis=0).reshape(-1, D_ENT, D_REL)
        proj = jnp.einsum('bd,bdr->br', e, M)
        return _l2_normalize(proj, axis=1)

    pos_h_id, pos_t_id, pos_r_id = x[:, 0], x[:, 1], x[:, 2]
    neg_h_id, neg_t_id, neg_r_id = x[:, 3], x[:, 4], x[:, 5]

    pos_h_e = jnp.take(ent_emb, pos_h_id, axis=0)
    pos_t_e = jnp.take(ent_emb, pos_t_id, axis=0)
    pos_r_e = jnp.take(rel_emb, pos_r_id, axis=0)
    neg_h_e = jnp.take(ent_emb, neg_h_id, axis=0)
    neg_t_e = jnp.take(ent_emb, neg_t_id, axis=0)
    neg_r_e = jnp.take(rel_emb, neg_r_id, axis=0)

    pos_h_e = _transfer(pos_h_e, pos_r_id)
    pos_t_e = _transfer(pos_t_e, pos_r_id)
    neg_h_e = _transfer(neg_h_e, neg_r_id)
    neg_t_e = _transfer(neg_t_e, neg_r_id)

    pos_d = pos_h_e + pos_r_e - pos_t_e
    neg_d = neg_h_e + neg_r_e - neg_t_e
    pos = jnp.where(l1_flag,
                    jnp.sum(jnp.abs(pos_d), axis=1, keepdims=True),
                    jnp.sum(pos_d ** 2, axis=1, keepdims=True))
    neg = jnp.where(l1_flag,
                    jnp.sum(jnp.abs(neg_d), axis=1, keepdims=True),
                    jnp.sum(neg_d ** 2, axis=1, keepdims=True))
    loss = jnp.sum(jnp.maximum(pos - neg + MARGIN, 0.0))
    return loss

if __name__ == "__main__":
    import jax
    _d = setup_inputs()
    print(jax.jit(kernel)(*tuple(_d.values())))

</pallas_src>

<mosaic_0001>
#map = affine_map<(d0, d1) -> (0)>
#map1 = affine_map<(d0, d1) -> (0, 0)>
#map2 = affine_map<(d0, d1) -> (0, 0, 0)>
module attributes {stable_mosaic.version = 14 : i64} {
  func.func @_sc_gather_body(%arg0: i32, %arg1: i32, %arg2: memref<4096xi32, #tpu.memory_space<hbm>>, %arg3: memref<4096xi32, #tpu.memory_space<hbm>>, %arg4: memref<4096xi32, #tpu.memory_space<hbm>>, %arg5: memref<4096xi32, #tpu.memory_space<hbm>>, %arg6: memref<4096xi32, #tpu.memory_space<hbm>>, %arg7: memref<4096xi32, #tpu.memory_space<hbm>>, %arg8: memref<1000000x64xf32, #tpu.memory_space<hbm>>, %arg9: memref<1000x64xf32, #tpu.memory_space<hbm>>, %arg10: memref<6x4096x64xf32, #tpu.memory_space<hbm>>, %arg11: memref<128xi32, #tpu.memory_space<vmem>>, %arg12: memref<128xi32, #tpu.memory_space<vmem>>, %arg13: memref<128xi32, #tpu.memory_space<vmem>>, %arg14: memref<128xi32, #tpu.memory_space<vmem>>, %arg15: memref<128xi32, #tpu.memory_space<vmem>>, %arg16: memref<128xi32, #tpu.memory_space<vmem>>, %arg17: memref<128x64xf32, #tpu.memory_space<vmem>>, %arg18: memref<128x64xf32, #tpu.memory_space<vmem>>, %arg19: memref<128x64xf32, #tpu.memory_space<vmem>>, %arg20: memref<128x64xf32, #tpu.memory_space<vmem>>, %arg21: memref<128x64xf32, #tpu.memory_space<vmem>>, %arg22: memref<128x64xf32, #tpu.memory_space<vmem>>, %arg23: memref<!tpu.dma_semaphore, #tpu.memory_space<semaphore_mem>>) attributes {dimension_semantics = [#tpu.dimension_semantics<core_parallel>, #tpu.dimension_semantics<subcore_parallel>], iteration_bounds = array<i64: 2, 16>, scalar_prefetch = 0 : i64, scratch_operands = 13 : i64, tpu.core_type = #tpu.core_type<sc_vector_subcore>, window_params = [{transform_indices = #map}, {transform_indices = #map}, {transform_indices = #map}, {transform_indices = #map}, {transform_indices = #map}, {transform_indices = #map}, {transform_indices = #map1}, {transform_indices = #map1}, {transform_indices = #map2}]} {
    %mul3A = arith.constant 2 : i32
    %mul3A_0 = arith.muli %arg1, %mul3A : i32
    %add3A = arith.addi %mul3A_0, %arg0 : i32
    %mul3A_1 = arith.constant 128 : i32
    %mul3A_2 = arith.muli %add3A, %mul3A_1 : i32
    "tpu.region"() ({
      %run_scoped3A_774 = tpu.sem_alloc : memref<!tpu.dma_semaphore, #tpu.memory_space<semaphore_mem>>
      %dma_start3A_775 = tpu.memref_slice %arg2[%mul3A_2] : memref<4096xi32, #tpu.memory_space<hbm>> -> memref<128xi32, #tpu.memory_space<hbm>>
      %dma_start3A_776 = tpu.memref_slice %arg2[%mul3A_2] : memref<4096xi32, #tpu.memory_space<hbm>> -> memref<128xi32, #tpu.memory_space<hbm>>
      tpu.enqueue_dma source(%dma_start3A_776 : memref<128xi32, #tpu.memory_space<hbm>>) target(%arg11 : memref<128xi32, #tpu.memory_space<vmem>>) target_semaphore(%run_scoped3A_774 : memref<!tpu.dma_semaphore, #tpu.memory_space<semaphore_mem>>)
      %dma_wait3A_777 = tpu.memref_slice %arg2[%mul3A_2] : memref<4096xi32, #tpu.memory_space<hbm>> -> memref<128xi32, #tpu.memory_space<hbm>>
      %dma_wait3A_778 = tpu.memref_slice %arg2[%mul3A_2] : memref<4096xi32, #tpu.memory_space<hbm>> -> memref<128xi32, #tpu.memory_space<hbm>>
      tpu.wait_dma2 semaphore(%run_scoped3A_774 : memref<!tpu.dma_semaphore, #tpu.memory_space<semaphore_mem>>) src(%dma_wait3A_778 : memref<128xi32, #tpu.memory_space<hbm>>) dst(%arg11 : memref<128xi32, #tpu.memory_space<vmem>>)
      tpu.yield
    }) : () -> ()
    "tpu.region"() ({
      %run_scoped3A_774 = tpu.sem_alloc : memref<!tpu.dma_semaphore, #tpu.memory_space<semaphore_mem>>
      %dma_start3A_775 = tpu.memref_slice %arg3[%mul3A_2] : memref<4096xi32, #tpu.memory_space<hbm>> -> memref<128xi32, #tpu.memory_space<hbm>>
      %dma_start3A_776 = tpu.memref_slice %arg3[%mul3A_2] : memref<4096xi32, #tpu.memory_space<hbm>> -> memref<128xi32, #tpu.memory_space<hbm>>
      tpu.enqueue_dma source(%dma_start3A_776 : memref<128xi32, #tpu.memory_space<hbm>>) target(%arg12 : memref<128xi32, #tpu.memory_space<vmem>>) target_semaphore(%run_scoped3A_774 : memref<!tpu.dma_semaphore, #tpu.memory_space<semaphore_mem>>)
      %dma_wait3A_777 = tpu.memref_slice %arg3[%mul3A_2] : memref<4096xi32, #tpu.memory_space<hbm>> -> memref<128xi32, #tpu.memory_space<hbm>>
      %dma_wait3A_778 = tpu.memref_slice %arg3[%mul3A_2] : memref<4096xi32, #tpu.memory_space<hbm>> -> memref<128xi32, #tpu.memory_space<hbm>>
      tpu.wait_dma2 semaphore(%run_scoped3A_774 : memref<!tpu.dma_semaphore, #tpu.memory_space<semaphore_mem>>) src(%dma_wait3A_778 : memref<128xi32, #tpu.memory_space<hbm>>) dst(%arg12 : memref<128xi32, #tpu.memory_space<vmem>>)
      tpu.yield
    }) : () -> ()
    "tpu.region"() ({
      %run_scoped3A_774 = tpu.sem_alloc : memref<!tpu.dma_semaphore, #tpu.memory_space<semaphore_mem>>
      %dma_start3A_775 = tpu.memref_slice %arg5[%mul3A_2] : memref<4096xi32, #tpu.memory_space<hbm>> -> memref<128xi32, #tpu.memory_space<hbm>>
      %dma_start3A_776 = tpu.memref_slice %arg5[%mul3A_2] : memref<4096xi32, #tpu.memory_space<hbm>> -> memref<128xi32, #tpu.memory_space<hbm>>
      tpu.enqueue_dma source(%dma_start3A_776 : memref<128xi32, #tpu.memory_space<hbm>>) target(%arg13 : memref<128xi32, #tpu.memory_space<vmem>>) target_semaphore(%run_scoped3A_774 : memref<!tpu.dma_semaphore, #tpu.memory_space<semaphore_mem>>)
      %dma_wait3A_777 = tpu.memref_slice %arg5[%mul3A_2] : memref<4096xi32, #tpu.memory_space<hbm>> -> memref<128xi32, #tpu.memory_space<hbm>>
      %dma_wait3A_778 = tpu.memref_slice %arg5[%mul3A_2] : memref<4096xi32, #tpu.memory_space<hbm>> -> memref<128xi32, #tpu.memory_space<hbm>>
      tpu.wait_dma2 semaphore(%run_scoped3A_774 : memref<!tpu.dma_semaphore, #tpu.memory_space<semaphore_mem>>) src(%dma_wait3A_778 : memref<128xi32, #tpu.memory_space<hbm>>) dst(%arg13 : memref<128xi32, #tpu.memory_space<vmem>>)
      tpu.yield
    }) : () -> ()
    "tpu.region"() ({
      %run_scoped3A_774 = tpu.sem_alloc : memref<!tpu.dma_semaphore, #tpu.memory_space<semaphore_mem>>
      %dma_start3A_775 = tpu.memref_slice %arg6[%mul3A_2] : memref<4096xi32, #tpu.memory_space<hbm>> -> memref<128xi32, #tpu.memory_space<hbm>>
      %dma_start3A_776 = tpu.memref_slice %arg6[%mul3A_2] : memref<4096xi32, #tpu.memory_space<hbm>> -> memref<128xi32, #tpu.memory_space<hbm>>
      tpu.enqueue_dma source(%dma_start3A_776 : memref<128xi32, #tpu.memory_space<hbm>>) target(%arg14 : memref<128xi32, #tpu.memory_space<vmem>>) target_semaphore(%run_scoped3A_774 : memref<!tpu.dma_semaphore, #tpu.memory_space<semaphore_mem>>)
      %dma_wait3A_777 = tpu.memref_slice %arg6[%mul3A_2] : memref<4096xi32, #tpu.memory_space<hbm>> -> memref<128xi32, #tpu.memory_space<hbm>>
      %dma_wait3A_778 = tpu.memref_slice %arg6[%mul3A_2] : memref<4096xi32, #tpu.memory_space<hbm>> -> memref<128xi32, #tpu.memory_space<hbm>>
      tpu.wait_dma2 semaphore(%run_scoped3A_774 : memref<!tpu.dma_semaphore, #tpu.memory_space<semaphore_mem>>) src(%dma_wait3A_778 : memref<128xi32, #tpu.memory_space<hbm>>) dst(%arg14 : memref<128xi32, #tpu.memory_space<vmem>>)
      tpu.yield
    }) : () -> ()
    "tpu.region"() ({
      %run_scoped3A_774 = tpu.sem_alloc : memref<!tpu.dma_semaphore, #tpu.memory_space<semaphore_mem>>
      %dma_start3A_775 = tpu.memref_slice %arg4[%mul3A_2] : memref<4096xi32, #tpu.memory_space<hbm>> -> memref<128xi32, #tpu.memory_space<hbm>>
      %dma_start3A_776 = tpu.memref_slice %arg4[%mul3A_2] : memref<4096xi32, #tpu.memory_space<hbm>> -> memref<128xi32, #tpu.memory_space<hbm>>
      tpu.enqueue_dma source(%dma_start3A_776 : memref<128xi32, #tpu.memory_space<hbm>>) target(%arg15 : memref<128xi32, #tpu.memory_space<vmem>>) target_semaphore(%run_scoped3A_774 : memref<!tpu.dma_semaphore, #tpu.memory_space<semaphore_mem>>)
      %dma_wait3A_777 = tpu.memref_slice %arg4[%mul3A_2] : memref<4096xi32, #tpu.memory_space<hbm>> -> memref<128xi32, #tpu.memory_space<hbm>>
      %dma_wait3A_778 = tpu.memref_slice %arg4[%mul3A_2] : memref<4096xi32, #tpu.memory_space<hbm>> -> memref<128xi32, #tpu.memory_space<hbm>>
      tpu.wait_dma2 semaphore(%run_scoped3A_774 : memref<!tpu.dma_semaphore, #tpu.memory_space<semaphore_mem>>) src(%dma_wait3A_778 : memref<128xi32, #tpu.memory_space<hbm>>) dst(%arg15 : memref<128xi32, #tpu.memory_space<vmem>>)
      tpu.yield
    }) : () -> ()
    "tpu.region"() ({
      %run_scoped3A_774 = tpu.sem_alloc : memref<!tpu.dma_semaphore, #tpu.memory_space<semaphore_mem>>
      %dma_start3A_775 = tpu.memref_slice %arg7[%mul3A_2] : memref<4096xi32, #tpu.memory_space<hbm>> -> memref<128xi32, #tpu.memory_space<hbm>>
      %dma_start3A_776 = tpu.memref_slice %arg7[%mul3A_2] : memref<4096xi32, #tpu.memory_space<hbm>> -> memref<128xi32, #tpu.memory_space<hbm>>
      tpu.enqueue_dma source(%dma_start3A_776 : memref<128xi32, #tpu.memory_space<hbm>>) target(%arg16 : memref<128xi32, #tpu.memory_space<vmem>>) target_semaphore(%run_scoped3A_774 : memref<!tpu.dma_semaphore, #tpu.memory_space<semaphore_mem>>)
      %dma_wait3A_777 = tpu.memref_slice %arg7[%mul3A_2] : memref<4096xi32, #tpu.memory_space<hbm>> -> memref<128xi32, #tpu.memory_space<hbm>>
      %dma_wait3A_778 = tpu.memref_slice %arg7[%mul3A_2] : memref<4096xi32, #tpu.memory_space<hbm>> -> memref<128xi32, #tpu.memory_space<hbm>>
      tpu.wait_dma2 semaphore(%run_scoped3A_774 : memref<!tpu.dma_semaphore, #tpu.memory_space<semaphore_mem>>) src(%dma_wait3A_778 : memref<128xi32, #tpu.memory_space<hbm>>) dst(%arg16 : memref<128xi32, #tpu.memory_space<vmem>>)
      tpu.yield
    }) : () -> ()
    %dma_start3A = arith.constant 0 : i32
    %dma_start3A_3 = arith.constant 0 : i32
    %dma_start3A_4 = tpu.memref_slice %arg17[%dma_start3A, %dma_start3A_3] : memref<128x64xf32, #tpu.memory_space<vmem>> -> memref<16x64xf32, #tpu.memory_space<vmem>>
    %dma_start3A_5 = arith.constant 0 : i32
    %dma_start3A_6 = tpu.memref_slice %arg11[%dma_start3A_5] : memref<128xi32, #tpu.memory_space<vmem>> -> memref<16xi32, #tpu.memory_space<vmem>>
    %dma_start3A_7 = arith.constant 0 : i32
    %dma_start3A_8 = arith.constant 0 : i32
    %dma_start3A_9 = tpu.memref_slice %arg8[%dma_start3A_7, %dma_start3A_8] : memref<1000000x64xf32, #tpu.memory_space<hbm>> -> memref<1000000x64xf32, #tpu.memory_space<hbm>>
    tpu.enqueue_indirect_dma source(%dma_start3A_9 : memref<1000000x64xf32, #tpu.memory_space<hbm>>) target(%dma_start3A_4 : memref<16x64xf32, #tpu.memory_space<vmem>>) offsets(%dma_start3A_6 : memref<16xi32, #tpu.memory_space<vmem>>) semaphore(%arg23 : memref<!tpu.dma_semaphore, #tpu.memory_space<semaphore_mem>>)
    %dma_start3A_10 = arith.constant 0 : i32
    %dma_start3A_11 = arith.constant 0 : i32
    %dma_start3A_12 = tpu.memref_slice %arg18[%dma_start3A_10, %dma_start3A_11] : memref<128x64xf32, #tpu.memory_space<vmem>> -> memref<16x64xf32, #tpu.memory_space<vmem>>
    %dma_start3A_13 = arith.constant 0 : i32
    %dma_start3A_14 = tpu.memref_slice %arg12[%dma_start3A_13] : memref<128xi32, #tpu.memory_space<vmem>> -> memref<16xi32, #tpu.memory_space<vmem>>
    %dma_start3A_15 = arith.constant 0 : i32
    %dma_start3A_16 = arith.constant 0 : i32
    %dma_start3A_17 = tpu.memref_slice %arg8[%dma_start3A_15, %dma_start3A_16] : memref<1000000x64xf32, #tpu.memory_space<hbm>> -> memref<1000000x64xf32, #tpu.memory_space<hbm>>
    tpu.enqueue_indirect_dma source(%dma_start3A_17 : memref<1000000x64xf32, #tpu.memory_space<hbm>>) target(%dma_start3A_12 : memref<16x64xf32, #tpu.memory_space<vmem>>) offsets(%dma_start3A_14 : memref<16xi32, #tpu.memory_space<vmem>>) semaphore(%arg23 : memref<!tpu.dma_semaphore, #tpu.memory_space<semaphore_mem>>)
    %dma_start3A_18 = arith.constant 0 : i32
    %dma_start3A_19 = arith.constant 0 : i32
    %dma_start3A_20 = tpu.memref_slice %arg19[%dma_start3A_18, %dma_start3A_19] : memref<128x64xf32, #tpu.memory_space<vmem>> -> memref<16x64xf32, #tpu.memory_space<vmem>>
    %dma_start3A_21 = arith.constant 0 : i32
    %dma_start3A_22 = tpu.memref_slice %arg13[%dma_start3A_21] : memref<128xi32, #tpu.memory_space<vmem>> -> memref<16xi32, #tpu.memory_space<vmem>>
    %dma_start3A_23 = arith.constant 0 : i32
    %dma_start3A_24 = arith.constant 0 : i32
    %dma_start3A_25 = tpu.memref_slice %arg8[%dma_start3A_23, %dma_start3A_24] : memref<1000000x64xf32, #tpu.memory_space<hbm>> -> memref<1000000x64xf32, #tpu.memory_space<hbm>>
    tpu.enqueue_indirect_dma source(%dma_start3A_25 : memref<1000000x64xf32, #tpu.memory_space<hbm>>) target(%dma_start3A_20 : memref<16x64xf32, #tpu.memory_space<vmem>>) offsets(%dma_start3A_22 : memref<16xi32, #tpu.memory_space<vmem>>) semaphore(%arg23 : memref<!tpu.dma_semaphore, #tpu.memory_space<semaphore_mem>>)
    %dma_start3A_26 = arith.constant 0 : i32
    %dma_start3A_27 = arith.constant 0 : i32
    %dma_start3A_28 = tpu.memref_slice %arg20[%dma_start3A_26, %dma_start3A_27] : memref<128x64xf32, #tpu.memory_space<vmem>> -> memref<16x64xf32, #tpu.memory_space<vmem>>
    %dma_start3A_29 = arith.constant 0 : i32
    %dma_start3A_30 = tpu.memref_slice %arg14[%dma_start3A_29] : memref<128xi32, #tpu.memory_space<vmem>> -> memref<16xi32, #tpu.memory_space<vmem>>
    %dma_start3A_31 = arith.constant 0 : i32
    %dma_start3A_32 = arith.constant 0 : i32
    %dma_start3A_33 = tpu.memref_slice %arg8[%dma_start3A_31, %dma_start3A_32] : memref<1000000x64xf32, #tpu.memory_space<hbm>> -> memref<1000000x64xf32, #tpu.memory_space<hbm>>
    tpu.enqueue_indirect_dma source(%dma_start3A_33 : memref<1000000x64xf32, #tpu.memory_space<hbm>>) target(%dma_start3A_28 : memref<16x64xf32, #tpu.memory_space<vmem>>) offsets(%dma_start3A_30 : memref<16xi32, #tpu.memory_space<vmem>>) semaphore(%arg23 : memref<!tpu.dma_semaphore, #tpu.memory_space<semaphore_mem>>)
    %dma_start3A_34 = arith.constant 0 : i32
    %dma_start3A_35 = arith.constant 0 : i32
    %dma_start3A_36 = tpu.memref_slice %arg21[%dma_start3A_34, %dma_start3A_35] : memref<128x64xf32, #tpu.memory_space<vmem>> -> memref<16x64xf32, #tpu.memory_space<vmem>>
    %dma_start3A_37 = arith.constant 0 : i32
    %dma_start3A_38 = tpu.memref_slice %arg15[%dma_start3A_37] : memref<128xi32, #tpu.memory_space<vmem>> -> memref<16xi32, #tpu.memory_space<vmem>>
    %dma_start3A_39 = arith.constant 0 : i32
    %dma_start3A_40 = arith.constant 0 : i32
    %dma_start3A_41 = tpu.memref_slice %arg9[%dma_start3A_39, %dma_start3A_40] : memref<1000x64xf32, #tpu.memory_space<hbm>> -> memref<1000x64xf32, #tpu.memory_space<hbm>>
    tpu.enqueue_indirect_dma source(%dma_start3A_41 : memref<1000x64xf32, #tpu.memory_space<hbm>>) target(%dma_start3A_36 : memref<16x64xf32, #tpu.memory_space<vmem>>) offsets(%dma_start3A_38 : memref<16xi32, #tpu.memory_space<vmem>>) semaphore(%arg23 : memref<!tpu.dma_semaphore, #tpu.memory_space<semaphore_mem>>)
    %dma_start3A_42 = arith.constant 0 : i32
    %dma_start3A_43 = arith.constant 0 : i32
    %dma_start3A_44 = tpu.memref_slice %arg22[%dma_start3A_42, %dma_start3A_43] : memref<128x64xf32, #tpu.memory_space<vmem>> -> memref<16x64xf32, #tpu.memory_space<vmem>>
    %dma_start3A_45 = arith.constant 0 : i32
    %dma_start3A_46 = tpu.memref_slice %arg16[%dma_start3A_45] : memref<128xi32, #tpu.memory_space<vmem>> -> memref<16xi32, #tpu.memory_space<vmem>>
    %dma_start3A_47 = arith.constant 0 : i32
    %dma_start3A_48 = arith.constant 0 : i32
    %dma_start3A_49 = tpu.memref_slice %arg9[%dma_start3A_47, %dma_start3A_48] : memref<1000x64xf32, #tpu.memory_space<hbm>> -> memref<1000x64xf32, #tpu.memory_space<hbm>>
    tpu.enqueue_indirect_dma source(%dma_start3A_49 : memref<1000x64xf32, #tpu.memory_space<hbm>>) target(%dma_start3A_44 : memref<16x64xf32, #tpu.memory_space<vmem>>) offsets(%dma_start3A_46 : memref<16xi32, #tpu.memory_space<vmem>>) semaphore(%arg23 : memref<!tpu.dma_semaphore, #tpu.memory_space<semaphore_mem>>)
    %dma_start3A_50 = arith.constant 16 : i32
    %dma_start3A_51 = arith.constant 0 : i32
    %dma_start3A_52 = tpu.memref_slice %arg17[%dma_start3A_50, %dma_start3A_51] : memref<128x64xf32, #tpu.memory_space<vmem>> -> memref<16x64xf32, #tpu.memory_space<vmem>>
    %dma_start3A_53 = arith.constant 16 : i32
    %dma_start3A_54 = tpu.memref_slice %arg11[%dma_start3A_53] : memref<128xi32, #tpu.memory_space<vmem>> -> memref<16xi32, #tpu.memory_space<vmem>>
    %dma_start3A_55 = arith.constant 0 : i32
    %dma_start3A_56 = arith.constant 0 : i32
    %dma_start3A_57 = tpu.memref_slice %arg8[%dma_start3A_55, %dma_start3A_56] : memref<1000000x64xf32, #tpu.memory_space<hbm>> -> memref<1000000x64xf32, #tpu.memory_space<hbm>>
    tpu.enqueue_indirect_dma source(%dma_start3A_57 : memref<1000000x64xf32, #tpu.memory_space<hbm>>) target(%dma_start3A_52 : memref<16x64xf32, #tpu.memory_space<vmem>>) offsets(%dma_start3A_54 : memref<16xi32, #tpu.memory_space<vmem>>) semaphore(%arg23 : memref<!tpu.dma_semaphore, #tpu.memory_space<semaphore_mem>>)
    %dma_start3A_58 = arith.constant 16 : i32
    %dma_start3A_59 = arith.constant 0 : i32
    %dma_start3A_60 = tpu.memref_slice %arg18[%dma_start3A_58, %dma_start3A_59] : memref<128x64xf32, #tpu.memory_space<vmem>> -> memref<16x64xf32, #tpu.memory_space<vmem>>
    %dma_start3A_61 = arith.constant 16 : i32
    %dma_start3A_62 = tpu.memref_slice %arg12[%dma_start3A_61] : memref<128xi32, #tpu.memory_space<vmem>> -> memref<16xi32, #tpu.memory_space<vmem>>
    %dma_start3A_63 = arith.constant 0 : i32
    %dma_start3A_64 = arith.constant 0 : i32
    %dma_start3A_65 = tpu.memref_slice %arg8[%dma_start3A_63, %dma_start3A_64] : memref<1000000x64xf32, #tpu.memory_space<hbm>> -> memref<1000000x64xf32, #tpu.memory_space<hbm>>
    tpu.enqueue_indirect_dma source(%dma_start3A_65 : memref<1000000x64xf32, #tpu.memory_space<hbm>>) target(%dma_start3A_60 : memref<16x64xf32, #tpu.memory_space<vmem>>) offsets(%dma_start3A_62 : memref<16xi32, #tpu.memory_space<vmem>>) semaphore(%arg23 : memref<!tpu.dma_semaphore, #tpu.memory_space<semaphore_mem>>)
    %dma_start3A_66 = arith.constant 16 : i32
    %dma_start3A_67 = arith.constant 0 : i32
    %dma_start3A_68 = tpu.memref_slice %arg19[%dma_start3A_66, %dma_start3A_67] : memref<128x64xf32, #tpu.memory_space<vmem>> -> memref<16x64xf32, #tpu.memory_space<vmem>>
    %dma_start3A_69 = arith.constant 16 : i32
    %dma_start3A_70 = tpu.memref_slice %arg13[%dma_start3A_69] : memref<128xi32, #tpu.memory_space<vmem>> -> memref<16xi32, #tpu.memory_space<vmem>>
    %dma_start3A_71 = arith.constant 0 : i32
    %dma_start3A_72 = arith.constant 0 : i32
    %dma_start3A_73 = tpu.memref_slice %arg8[%dma_start3A_71, %dma_start3A_72] : memref<1000000x64xf32, #tpu.memory_space<hbm>> -> memref<1000000x64xf32, #tpu.memory_space<hbm>>
    tpu.enqueue_indirect_dma source(%dma_start3A_73 : memref<1000000x64xf32, #tpu.memory_space<hbm>>) target(%dma_start3A_68 : memref<16x64xf32, #tpu.memory_space<vmem>>) offsets(%dma_start3A_70 : memref<16xi32, #tpu.memory_space<vmem>>) semaphore(%arg23 : memref<!tpu.dma_semaphore, #tpu.memory_space<semaphore_mem>>)
    %dma_start3A_74 = arith.constant 16 : i32
    %dma_start3A_75 = arith.constant 0 : i32
    %dma_start3A_76 = tpu.memref_slice %arg20[%dma_start3A_74, %dma_start3A_75] : memref<128x64xf32, #tpu.memory_space<vmem>> -> memref<16x64xf32, #tpu.memory_space<vmem>>
    %dma_start3A_77 = arith.constant 16 : i32
    %dma_start3A_78 = tpu.memref_slice %arg14[%dma_start3A_77] : memref<128xi32, #tpu.memory_space<vmem>> -> memref<16xi32, #tpu.memory_space<vmem>>
    %dma_start3A_79 = arith.constant 0 : i32
    %dma_start3A_80 = arith.constant 0 : i32
    %dma_start3A_81 = tpu.memref_slice %arg8[%dma_start3A_79, %dma_start3A_80] : memref<1000000x64xf32, #tpu.memory_space<hbm>> -> memref<1000000x64xf32, #tpu.memory_space<hbm>>
    tpu.enqueue_indirect_dma source(%dma_start3A_81 : memref<1000000x64xf32, #tpu.memory_space<hbm>>) target(%dma_start3A_76 : memref<16x64xf32, #tpu.memory_space<vmem>>) offsets(%dma_start3A_78 : memref<16xi32, #tpu.memory_space<vmem>>) semaphore(%arg23 : memref<!tpu.dma_semaphore, #tpu.memory_space<semaphore_mem>>)
    %dma_start3A_82 = arith.constant 16 : i32
    %dma_start3A_83 = arith.constant 0 : i32
    %dma_start3A_84 = tpu.memref_slice %arg21[%dma_start3A_82, %dma_start3A_83] : memref<128x64xf32, #tpu.memory_space<vmem>> -> memref<16x64xf32, #tpu.memory_space<vmem>>
    %dma_start3A_85 = arith.constant 16 : i32
    %dma_start3A_86 = tpu.memref_slice %arg15[%dma_start3A_85] : memref<128xi32, #tpu.memory_space<vmem>> -> memref<16xi32, #tpu.memory_space<vmem>>
    %dma_start3A_87 = arith.constant 0 : i32
    %dma_start3A_88 = arith.constant 0 : i32
    %dma_start3A_89 = tpu.memref_slice %arg9[%dma_start3A_87, %dma_start3A_88] : memref<1000x64xf32, #tpu.memory_space<hbm>> -> memref<1000x64xf32, #tpu.memory_space<hbm>>
    tpu.enqueue_indirect_dma source(%dma_start3A_89 : memref<1000x64xf32, #tpu.memory_space<hbm>>) target(%dma_start3A_84 : memref<16x64xf32, #tpu.memory_space<vmem>>) offsets(%dma_start3A_86 : memref<16xi32, #tpu.memory_space<vmem>>) semaphore(%arg23 : memref<!tpu.dma_semaphore, #tpu.memory_space<semaphore_mem>>)
    %dma_start3A_90 = arith.constant 16 : i32
    %dma_start3A_91 = arith.constant 0 : i32
    %dma_start3A_92 = tpu.memref_slice %arg22[%dma_start3A_90, %dma_start3A_91] : memref<128x64xf32, #tpu.memory_space<vmem>> -> memref<16x64xf32, #tpu.memory_space<vmem>>
    %dma_start3A_93 = arith.constant 16 : i32
    %dma_start3A_94 = tpu.memref_slice %arg16[%dma_start3A_93] : memref<128xi32, #tpu.memory_space<vmem>> -> memref<16xi32, #tpu.memory_space<vmem>>
    %dma_start3A_95 = arith.constant 0 : i32
    %dma_start3A_96 = arith.constant 0 : i32
    %dma_start3A_97 = tpu.memref_slice %arg9[%dma_start3A_95, %dma_start3A_96] : memref<1000x64xf32, #tpu.memory_space<hbm>> -> memref<1000x64xf32, #tpu.memory_space<hbm>>
    tpu.enqueue_indirect_dma source(%dma_start3A_97 : memref<1000x64xf32, #tpu.memory_space<hbm>>) target(%dma_start3A_92 : memref<16x64xf32, #tpu.memory_space<vmem>>) offsets(%dma_start3A_94 : memref<16xi32, #tpu.memory_space<vmem>>) semaphore(%arg23 : memref<!tpu.dma_semaphore, #tpu.memory_space<semaphore_mem>>)
    %dma_start3A_98 = arith.constant 32 : i32
    %dma_start3A_99 = arith.constant 0 : i32
    %dma_start3A_100 = tpu.memref_slice %arg17[%dma_start3A_98, %dma_start3A_99] : memref<128x64xf32, #tpu.memory_space<vmem>> -> memref<16x64xf32, #tpu.memory_space<vmem>>
    %dma_start3A_101 = arith.constant 32 : i32
    %dma_start3A_102 = tpu.memref_slice %arg11[%dma_start3A_101] : memref<128xi32, #tpu.memory_space<vmem>> -> memref<16xi32, #tpu.memory_space<vmem>>
    %dma_start3A_103 = arith.constant 0 : i32
    %dma_start3A_104 = arith.constant 0 : i32
    %dma_start3A_105 = tpu.memref_slice %arg8[%dma_start3A_103, %dma_start3A_104] : memref<1000000x64xf32, #tpu.memory_space<hbm>> -> memref<1000000x64xf32, #tpu.memory_space<hbm>>
    tpu.enqueue_indirect_dma source(%dma_start3A_105 : memref<1000000x64xf32, #tpu.memory_space<hbm>>) target(%dma_start3A_100 : memref<16x64xf32, #tpu.memory_space<vmem>>) offsets(%dma_start3A_102 : memref<16xi32, #tpu.memory_space<vmem>>) semaphore(%arg23 : memref<!tpu.dma_semaphore, #tpu.memory_space<semaphore_mem>>)
    %dma_start3A_106 = arith.constant 32 : i32
    %dma_start3A_107 = arith.constant 0 : i32
    %dma_start3A_108 = tpu.memref_slice %arg18[%dma_start3A_106, %dma_start3A_107] : memref<128x64xf32, #tpu.memory_space<vmem>> -> memref<16x64xf32, #tpu.memory_space<vmem>>
    %dma_start3A_109 = arith.constant 32 : i32
    %dma_start3A_110 = tpu.memref_slice %arg12[%dma_start3A_109] : memref<128xi32, #tpu.memory_space<vmem>> -> memref<16xi32, #tpu.memory_space<vmem>>
    %dma_start3A_111 = arith.constant 0 : i32
    %dma_start3A_112 = arith.constant 0 : i32
    %dma_start3A_113 = tpu.memref_slice %arg8[%dma_start3A_111, %dma_start3A_112] : memref<1000000x64xf32, #tpu.memory_space<hbm>> -> memref<1000000x64xf32, #tpu.memory_space<hbm>>
    tpu.enqueue_indirect_dma source(%dma_start3A_113 : memref<1000000x64xf32, #tpu.memory_space<hbm>>) target(%dma_start3A_108 : memref<16x64xf32, #tpu.memory_space<vmem>>) offsets(%dma_start3A_110 : memref<16xi32, #tpu.memory_space<vmem>>) semaphore(%arg23 : memref<!tpu.dma_semaphore, #tpu.memory_space<semaphore_mem>>)
    %dma_start3A_114 = arith.constant 32 : i32
    %dma_start3A_115 = arith.constant 0 : i32
    %dma_start3A_116 = tpu.memref_slice %arg19[%dma_start3A_114, %dma_start3A_115] : memref<128x64xf32, #tpu.memory_space<vmem>> -> memref<16x64xf32, #tpu.memory_space<vmem>>
    %dma_start3A_117 = arith.constant 32 : i32
    %dma_start3A_118 = tpu.memref_slice %arg13[%dma_start3A_117] : memref<128xi32, #tpu.memory_space<vmem>> -> memref<16xi32, #tpu.memory_space<vmem>>
    %dma_start3A_119 = arith.constant 0 : i32
    %dma_start3A_120 = arith.constant 0 : i32
    %dma_start3A_121 = tpu.memref_slice %arg8[%dma_start3A_119, %dma_start3A_120] : memref<1000000x64xf32, #tpu.memory_space<hbm>> -> memref<1000000x64xf32, #tpu.memory_space<hbm>>
    tpu.enqueue_indirect_dma source(%dma_start3A_121 : memref<1000000x64xf32, #tpu.memory_space<hbm>>) target(%dma_start3A_116 : memref<16x64xf32, #tpu.memory_space<vmem>>) offsets(%dma_start3A_118 : memref<16xi32, #tpu.memory_space<vmem>>) semaphore(%arg23 : memref<!tpu.dma_semaphore, #tpu.memory_space<semaphore_mem>>)
    %dma_start3A_122 = arith.constant 32 : i32
    %dma_start3A_123 = arith.constant 0 : i32
    %dma_start3A_124 = tpu.memref_slice %arg20[%dma_start3A_122, %dma_start3A_123] : memref<128x64xf32, #tpu.memory_space<vmem>> -> memref<16x64xf32, #tpu.memory_space<vmem>>
    %dma_start3A_125 = arith.constant 32 : i32
    %dma_start3A_126 = tpu.memref_slice %arg14[%dma_start3A_125] : memref<128xi32, #tpu.memory_space<vmem>> -> memref<16xi32, #tpu.memory_space<vmem>>
    %dma_start3A_127 = arith.constant 0 : i32
    %dma_start3A_128 = arith.constant 0 : i32
    %dma_start3A_129 = tpu.memref_slice %arg8[%dma_start3A_127, %dma_start3A_128] : memref<1000000x64xf32, #tpu.memory_space<hbm>> -> memref<1000000x64xf32, #tpu.memory_space<hbm>>
    tpu.enqueue_indirect_dma source(%dma_start3A_129 : memref<1000000x64xf32, #tpu.memory_space<hbm>>) target(%dma_start3A_124 : memref<16x64xf32, #tpu.memory_space<vmem>>) offsets(%dma_start3A_126 : memref<16xi32, #tpu.memory_space<vmem>>) semaphore(%arg23 : memref<!tpu.dma_semaphore, #tpu.memory_space<semaphore_mem>>)
    %dma_start3A_130 = arith.constant 32 : i32
    %dma_start3A_131 = arith.constant 0 : i32
    %dma_start3A_132 = tpu.memref_slice %arg21[%dma_start3A_130, %dma_start3A_131] : memref<128x64xf32, #tpu.memory_space<vmem>> -> memref<16x64xf32, #tpu.memory_space<vmem>>
    %dma_start3A_133 = arith.constant 32 : i32
    %dma_start3A_134 = tpu.memref_slice %arg15[%dma_start3A_133] : memref<128xi32, #tpu.memory_space<vmem>> -> memref<16xi32, #tpu.memory_space<vmem>>
    %dma_start3A_135 = arith.constant 0 : i32
    %dma_start3A_136 = arith.constant 0 : i32
    %dma_start3A_137 = tpu.memref_slice %arg9[%dma_start3A_135, %dma_start3A_136] : memref<1000x64xf32, #tpu.memory_space<hbm>> -> memref<1000x64xf32, #tpu.memory_space<hbm>>
    tpu.enqueue_indirect_dma source(%dma_start3A_137 : memref<1000x64xf32, #tpu.memory_space<hbm>>) target(%dma_start3A_132 : memref<16x64xf32, #tpu.memory_space<vmem>>) offsets(%dma_start3A_134 : memref<16xi32, #tpu.memory_space<vmem>>) semaphore(%arg23 : memref<!tpu.dma_semaphore, #tpu.memory_space<semaphore_mem>>)
    %dma_start3A_138 = arith.constant 32 : i32
    %dma_start3A_139 = arith.constant 0 : i32
    %dma_start3A_140 = tpu.memref_slice %arg22[%dma_start3A_138, %dma_start3A_139] : memref<128x64xf32, #tpu.memory_space<vmem>> -> memref<16x64xf32, #tpu.memory_space<vmem>>
    %dma_start3A_141 = arith.constant 32 : i32
    %dma_start3A_142 = tpu.memref_slice %arg16[%dma_start3A_141] : memref<128xi32, #tpu.memory_space<vmem>> -> memref<16xi32, #tpu.memory_space<vmem>>
    %dma_start3A_143 = arith.constant 0 : i32
    %dma_start3A_144 = arith.constant 0 : i32
    %dma_start3A_145 = tpu.memref_slice %arg9[%dma_start3A_143, %dma_start3A_144] : memref<1000x64xf32, #tpu.memory_space<hbm>> -> memref<1000x64xf32, #tpu.memory_space<hbm>>
    tpu.enqueue_indirect_dma source(%dma_start3A_145 : memref<1000x64xf32, #tpu.memory_space<hbm>>) target(%dma_start3A_140 : memref<16x64xf32, #tpu.memory_space<vmem>>) offsets(%dma_start3A_142 : memref<16xi32, #tpu.memory_space<vmem>>) semaphore(%arg23 : memref<!tpu.dma_semaphore, #tpu.memory_space<semaphore_mem>>)
    %dma_start3A_146 = arith.constant 48 : i32
    %dma_start3A_147 = arith.constant 0 : i32
    %dma_start3A_148 = tpu.memref_slice %arg17[%dma_start3A_146, %dma_start3A_147] : memref<128x64xf32, #tpu.memory_space<vmem>> -> memref<16x64xf32, #tpu.memory_space<vmem>>
    %dma_start3A_149 = arith.constant 48 : i32
    %dma_start3A_150 = tpu.memref_slice %arg11[%dma_start3A_149] : memref<128xi32, #tpu.memory_space<vmem>> -> memref<16xi32, #tpu.memory_space<vmem>>
    %dma_start3A_151 = arith.constant 0 : i32
    %dma_start3A_152 = arith.constant 0 : i32
    %dma_start3A_153 = tpu.memref_slice %arg8[%dma_start3A_151, %dma_start3A_152] : memref<1000000x64xf32, #tpu.memory_space<hbm>> -> memref<1000000x64xf32, #tpu.memory_space<hbm>>
    tpu.enqueue_indirect_dma source(%dma_start3A_153 : memref<1000000x64xf32, #tpu.memory_space<hbm>>) target(%dma_start3A_148 : memref<16x64xf32, #tpu.memory_space<vmem>>) offsets(%dma_start3A_150 : memref<16xi32, #tpu.memory_space<vmem>>) semaphore(%arg23 : memref<!tpu.dma_semaphore, #tpu.memory_space<semaphore_mem>>)
    %dma_start3A_154 = arith.constant 48 : i32
    %dma_start3A_155 = arith.constant 0 : i32
    %dma_start3A_156 = tpu.memref_slice %arg18[%dma_start3A_154, %dma_start3A_155] : memref<128x64xf32, #tpu.memory_space<vmem>> -> memref<16x64xf32, #tpu.memory_space<vmem>>
    %dma_start3A_157 = arith.constant 48 : i32
    %dma_start3A_158 = tpu.memref_slice %arg12[%dma_start3A_157] : memref<128xi32, #tpu.memory_space<vmem>> -> memref<16xi32, #tpu.memory_space<vmem>>
    %dma_start3A_159 = arith.constant 0 : i32
    %dma_start3A_160 = arith.constant 0 : i32
    %dma_start3A_161 = tpu.memref_slice %arg8[%dma_start3A_159, %dma_start3A_160] : memref<1000000x64xf32, #tpu.memory_space<hbm>> -> memref<1000000x64xf32, #tpu.memory_space<hbm>>
    tpu.enqueue_indirect_dma source(%dma_start3A_161 : memref<1000000x64xf32, #tpu.memory_space<hbm>>) target(%dma_start3A_156 : memref<16x64xf32, #tpu.memory_space<vmem>>) offsets(%dma_start3A_158 : memref<16xi32, #tpu.memory_space<vmem>>) semaphore(%arg23 : memref<!tpu.dma_semaphore, #tpu.memory_space<semaphore_mem>>)
    %dma_start3A_162 = arith.constant 48 : i32
    %dma_start3A_163 = arith.constant 0 : i32
    %dma_start3A_164 = tpu.memref_slice %arg19[%dma_start3A_162, %dma_start3A_163] : memref<128x64xf32, #tpu.memory_space<vmem>> -> memref<16x64xf32, #tpu.memory_space<vmem>>
    %dma_start3A_165 = arith.constant 48 : i32
    %dma_start3A_166 = tpu.memref_slice %arg13[%dma_start3A_165] : memref<128xi32, #tpu.memory_space<vmem>> -> memref<16xi32, #tpu.memory_space<vmem>>
    %dma_start3A_167 = arith.constant 0 : i32
    %dma_start3A_168 = arith.constant 0 : i32
    %dma_start3A_169 = tpu.memref_slice %arg8[%dma_start3A_167, %dma_start3A_168] : memref<1000000x64xf32, #tpu.memory_space<hbm>> -> memref<1000000x64xf32, #tpu.memory_space<hbm>>
    tpu.enqueue_indirect_dma source(%dma_start3A_169 : memref<1000000x64xf32, #tpu.memory_space<hbm>>) target(%dma_start3A_164 : memref<16x64xf32, #tpu.memory_space<vmem>>) offsets(%dma_start3A_166 : memref<16xi32, #tpu.memory_space<vmem>>) semaphore(%arg23 : memref<!tpu.dma_semaphore, #tpu.memory_space<semaphore_mem>>)
    %dma_start3A_170 = arith.constant 48 : i32
    %dma_start3A_171 = arith.constant 0 : i32
    %dma_start3A_172 = tpu.memref_slice %arg20[%dma_start3A_170, %dma_start3A_171] : memref<128x64xf32, #tpu.memory_space<vmem>> -> memref<16x64xf32, #tpu.memory_space<vmem>>
    %dma_start3A_173 = arith.constant 48 : i32
    %dma_start3A_174 = tpu.memref_slice %arg14[%dma_start3A_173] : memref<128xi32, #tpu.memory_space<vmem>> -> memref<16xi32, #tpu.memory_space<vmem>>
    %dma_start3A_175 = arith.constant 0 : i32
    %dma_start3A_176 = arith.constant 0 : i32
    %dma_start3A_177 = tpu.memref_slice %arg8[%dma_start3A_175, %dma_start3A_176] : memref<1000000x64xf32, #tpu.memory_space<hbm>> -> memref<1000000x64xf32, #tpu.memory_space<hbm>>
    tpu.enqueue_indirect_dma source(%dma_start3A_177 : memref<1000000x64xf32, #tpu.memory_space<hbm>>) target(%dma_start3A_172 : memref<16x64xf32, #tpu.memory_space<vmem>>) offsets(%dma_start3A_174 : memref<16xi32, #tpu.memory_space<vmem>>) semaphore(%arg23 : memref<!tpu.dma_semaphore, #tpu.memory_space<semaphore_mem>>)
    %dma_start3A_178 = arith.constant 48 : i32
    %dma_start3A_179 = arith.constant 0 : i32
    %dma_start3A_180 = tpu.memref_slice %arg21[%dma_start3A_178, %dma_start3A_179] : memref<128x64xf32, #tpu.memory_space<vmem>> -> memref<16x64xf32, #tpu.memory_space<vmem>>
    %dma_start3A_181 = arith.constant 48 : i32
    %dma_start3A_182 = tpu.memref_slice %arg15[%dma_start3A_181] : memref<128xi32, #tpu.memory_space<vmem>> -> memref<16xi32, #tpu.memory_space<vmem>>
    %dma_start3A_183 = arith.constant 0 : i32
    %dma_start3A_184 = arith.constant 0 : i32
    %dma_start3A_185 = tpu.memref_slice %arg9[%dma_start3A_183, %dma_start3A_184] : memref<1000x64xf32, #tpu.memory_space<hbm>> -> memref<1000x64xf32, #tpu.memory_space<hbm>>
    tpu.enqueue_indirect_dma source(%dma_start3A_185 : memref<1000x64xf32, #tpu.memory_space<hbm>>) target(%dma_start3A_180 : memref<16x64xf32, #tpu.memory_space<vmem>>) offsets(%dma_start3A_182 : memref<16xi32, #tpu.memory_space<vmem>>) semaphore(%arg23 : memref<!tpu.dma_semaphore, #tpu.memory_space<semaphore_mem>>)
    %dma_start3A_186 = arith.constant 48 : i32
    %dma_start3A_187 = arith.constant 0 : i32
    %dma_start3A_188 = tpu.memref_slice %arg22[%dma_start3A_186, %dma_start3A_187] : memref<128x64xf32, #tpu.memory_space<vmem>> -> memref<16x64xf32, #tpu.memory_space<vmem>>
    %dma_start3A_189 = arith.constant 48 : i32
    %dma_start3A_190 = tpu.memref_slice %arg16[%dma_start3A_189] : memref<128xi32, #tpu.memory_space<vmem>> -> memref<16xi32, #tpu.memory_space<vmem>>
    %dma_start3A_191 = arith.constant 0 : i32
    %dma_start3A_192 = arith.constant 0 : i32
    %dma_start3A_193 = tpu.memref_slice %arg9[%dma_start3A_191, %dma_start3A_192] : memref<1000x64xf32, #tpu.memory_space<hbm>> -> memref<1000x64xf32, #tpu.memory_space<hbm>>
    tpu.enqueue_indirect_dma source(%dma_start3A_193 : memref<1000x64xf32, #tpu.memory_space<hbm>>) target(%dma_start3A_188 : memref<16x64xf32, #tpu.memory_space<vmem>>) offsets(%dma_start3A_190 : memref<16xi32, #tpu.memory_space<vmem>>) semaphore(%arg23 : memref<!tpu.dma_semaphore, #tpu.memory_space<semaphore_mem>>)
    %dma_start3A_194 = arith.constant 64 : i32
    %dma_start3A_195 = arith.constant 0 : i32
    %dma_start3A_196 = tpu.memref_slice %arg17[%dma_start3A_194, %dma_start3A_195] : memref<128x64xf32, #tpu.memory_space<vmem>> -> memref<16x64xf32, #tpu.memory_space<vmem>>
    %dma_start3A_197 = arith.constant 64 : i32
    %dma_start3A_198 = tpu.memref_slice %arg11[%dma_start3A_197] : memref<128xi32, #tpu.memory_space<vmem>> -> memref<16xi32, #tpu.memory_space<vmem>>
    %dma_start3A_199 = arith.constant 0 : i32
    %dma_start3A_200 = arith.constant 0 : i32
    %dma_start3A_201 = tpu.memref_slice %arg8[%dma_start3A_199, %dma_start3A_200] : memref<1000000x64xf32, #tpu.memory_space<hbm>> -> memref<1000000x64xf32, #tpu.memory_space<hbm>>
    tpu.enqueue_indirect_dma source(%dma_start3A_201 : memref<1000000x64xf32, #tpu.memory_space<hbm>>) target(%dma_start3A_196 : memref<16x64xf32, #tpu.memory_space<vmem>>) offsets(%dma_start3A_198 : memref<16xi32, #tpu.memory_space<vmem>>) semaphore(%arg23 : memref<!tpu.dma_semaphore, #tpu.memory_space<semaphore_mem>>)
    %dma_start3A_202 = arith.constant 64 : i32
    %dma_start3A_203 = arith.constant 0 : i32
    %dma_start3A_204 = tpu.memref_slice %arg18[%dma_start3A_202, %dma_start3A_203] : memref<128x64xf32, #tpu.memory_space<vmem>> -> memref<16x64xf32, #tpu.memory_space<vmem>>
    %dma_start3A_205 = arith.constant 64 : i32
    %dma_start3A_206 = tpu.memref_slice %arg12[%dma_start3A_205] : memref<128xi32, #tpu.memory_space<vmem>> -> memref<16xi32, #tpu.memory_space<vmem>>
    %dma_start3A_207 = arith.constant 0 : i32
    %dma_start3A_208 = arith.constant 0 : i32
    %dma_start3A_209 = tpu.memref_slice %arg8[%dma_start3A_207, %dma_start3A_208] : memref<1000000x64xf32, #tpu.memory_space<hbm>> -> memref<1000000x64xf32, #tpu.memory_space<hbm>>
    tpu.enqueue_indirect_dma source(%dma_start3A_209 : memref<1000000x64xf32, #tpu.memory_space<hbm>>) target(%dma_start3A_204 : memref<16x64xf32, #tpu.memory_space<vmem>>) offsets(%dma_start3A_206 : memref<16xi32, #tpu.memory_space<vmem>>) semaphore(%arg23 : memref<!tpu.dma_semaphore, #tpu.memory_space<semaphore_mem>>)
    %dma_start3A_210 = arith.constant 64 : i32
    %dma_start3A_211 = arith.constant 0 : i32
    %dma_start3A_212 = tpu.memref_slice %arg19[%dma_start3A_210, %dma_start3A_211] : memref<128x64xf32, #tpu.memory_space<vmem>> -> memref<16x64xf32, #tpu.memory_space<vmem>>
    %dma_start3A_213 = arith.constant 64 : i32
    %dma_start3A_214 = tpu.memref_slice %arg13[%dma_start3A_213] : memref<128xi32, #tpu.memory_space<vmem>> -> memref<16xi32, #tpu.memory_space<vmem>>
    %dma_start3A_215 = arith.constant 0 : i32
    %dma_start3A_216 = arith.constant 0 : i32
    %dma_start3A_217 = tpu.memref_slice %arg8[%dma_start3A_215, %dma_start3A_216] : memref<1000000x64xf32, #tpu.memory_space<hbm>> -> memref<1000000x64xf32, #tpu.memory_space<hbm>>
    tpu.enqueue_indirect_dma source(%dma_start3A_217 : memref<1000000x64xf32, #tpu.memory_space<hbm>>) target(%dma_start3A_212 : memref<16x64xf32, #tpu.memory_space<vmem>>) offsets(%dma_start3A_214 : memref<16xi32, #tpu.memory_space<vmem>>) semaphore(%arg23 : memref<!tpu.dma_semaphore, #tpu.memory_space<semaphore_mem>>)
    %dma_start3A_218 = arith.constant 64 : i32
    %dma_start3A_219 = arith.constant 0 : i32
    %dma_start3A_220 = tpu.memref_slice %arg20[%dma_start3A_218, %dma_start3A_219] : memref<128x64xf32, #tpu.memory_space<vmem>> -> memref<16x64xf32, #tpu.memory_space<vmem>>
    %dma_start3A_221 = arith.constant 64 : i32
    %dma_start3A_222 = tpu.memref_slice %arg14[%dma_start3A_221] : memref<128xi32, #tpu.memory_space<vmem>> -> memref<16xi32, #tpu.memory_space<vmem>>
    %dma_start3A_223 = arith.constant 0 : i32
    %dma_start3A_224 = arith.constant 0 : i32
    %dma_start3A_225 = tpu.memref_slice %arg8[%dma_start3A_223, %dma_start3A_224] : memref<1000000x64xf32, #tpu.memory_space<hbm>> -> memref<1000000x64xf32, #tpu.memory_space<hbm>>
    tpu.enqueue_indirect_dma source(%dma_start3A_225 : memref<1000000x64xf32, #tpu.memory_space<hbm>>) target(%dma_start3A_220 : memref<16x64xf32, #tpu.memory_space<vmem>>) offsets(%dma_start3A_222 : memref<16xi32, #tpu.memory_space<vmem>>) semaphore(%arg23 : memref<!tpu.dma_semaphore, #tpu.memory_space<semaphore_mem>>)
    %dma_start3A_226 = arith.constant 64 : i32
    %dma_start3A_227 = arith.constant 0 : i32
    %dma_start3A_228 = tpu.memref_slice %arg21[%dma_start3A_226, %dma_start3A_227] : memref<128x64xf32, #tpu.memory_space<vmem>> -> memref<16x64xf32, #tpu.memory_space<vmem>>
    %dma_start3A_229 = arith.constant 64 : i32
    %dma_start3A_230 = tpu.memref_slice %arg15[%dma_start3A_229] : memref<128xi32, #tpu.memory_space<vmem>> -> memref<16xi32, #tpu.memory_space<vmem>>
    %dma_start3A_231 = arith.constant 0 : i32
    %dma_start3A_232 = arith.constant 0 : i32
    %dma_start3A_233 = tpu.memref_slice %arg9[%dma_start3A_231, %dma_start3A_232] : memref<1000x64xf32, #tpu.memory_space<hbm>> -> memref<1000x64xf32, #tpu.memory_space<hbm>>
    tpu.enqueue_indirect_dma source(%dma_start3A_233 : memref<1000x64xf32, #tpu.memory_space<hbm>>) target(%dma_start3A_228 : memref<16x64xf32, #tpu.memory_space<vmem>>) offsets(%dma_start3A_230 : memref<16xi32, #tpu.memory_space<vmem>>) semaphore(%arg23 : memref<!tpu.dma_semaphore, #tpu.memory_space<semaphore_mem>>)
    %dma_start3A_234 = arith.constant 64 : i32
    %dma_start3A_235 = arith.constant 0 : i32
    %dma_start3A_236 = tpu.memref_slice %arg22[%dma_start3A_234, %dma_start3A_235] : memref<128x64xf32, #tpu.memory_space<vmem>> -> memref<16x64xf32, #tpu.memory_space<vmem>>
    %dma_start3A_237 = arith.constant 64 : i32
    %dma_start3A_238 = tpu.memref_slice %arg16[%dma_start3A_237] : memref<128xi32, #tpu.memory_space<vmem>> -> memref<16xi32, #tpu.memory_space<vmem>>
    %dma_start3A_239 = arith.constant 0 : i32
    %dma_start3A_240 = arith.constant 0 : i32
    %dma_start3A_241 = tpu.memref_slice %arg9[%dma_start3A_239, %dma_start3A_240] : memref<1000x64xf32, #tpu.memory_space<hbm>> -> memref<1000x64xf32, #tpu.memory_space<hbm>>
    tpu.enqueue_indirect_dma source(%dma_start3A_241 : memref<1000x64xf32, #tpu.memory_space<hbm>>) target(%dma_start3A_236 : memref<16x64xf32, #tpu.memory_space<vmem>>) offsets(%dma_start3A_238 : memref<16xi32, #tpu.memory_space<vmem>>) semaphore(%arg23 : memref<!tpu.dma_semaphore, #tpu.memory_space<semaphore_mem>>)
    %dma_start3A_242 = arith.constant 80 : i32
    %dma_start3A_243 = arith.constant 0 : i32
    %dma_start3A_244 = tpu.memref_slice %arg17[%dma_start3A_242, %dma_start3A_243] : memref<128x64xf32, #tpu.memory_space<vmem>> -> memref<16x64xf32, #tpu.memory_space<vmem>>
    %dma_start3A_245 = arith.constant 80 : i32
    %dma_start3A_246 = tpu.memref_slice %arg11[%dma_start3A_245] : memref<128xi32, #tpu.memory_space<vmem>> -> memref<16xi32, #tpu.memory_space<vmem>>
    %dma_start3A_247 = arith.constant 0 : i32
    %dma_start3A_248 = arith.constant 0 : i32
    %dma_start3A_249 = tpu.memref_slice %arg8[%dma_start3A_247, %dma_start3A_248] : memref<1000000x64xf32, #tpu.memory_space<hbm>> -> memref<1000000x64xf32, #tpu.memory_space<hbm>>
    tpu.enqueue_indirect_dma source(%dma_start3A_249 : memref<1000000x64xf32, #tpu.memory_space<hbm>>) target(%dma_start3A_244 : memref<16x64xf32, #tpu.memory_space<vmem>>) offsets(%dma_start3A_246 : memref<16xi32, #tpu.memory_space<vmem>>) semaphore(%arg23 : memref<!tpu.dma_semaphore, #tpu.memory_space<semaphore_mem>>)
    %dma_start3A_250 = arith.constant 80 : i32
    %dma_start3A_251 = arith.constant 0 : i32
    %dma_start3A_252 = tpu.memref_slice %arg18[%dma_start3A_250, %dma_start3A_251] : memref<128x64xf32, #tpu.memory_space<vmem>> -> memref<16x64xf32, #tpu.memory_space<vmem>>
    %dma_start3A_253 = arith.constant 80 : i32
    %dma_start3A_254 = tpu.memref_slice %arg12[%dma_start3A_253] : memref<128xi32, #tpu.memory_space<vmem>> -> memref<16xi32, #tpu.memory_space<vmem>>
    %dma_start3A_255 = arith.constant 0 : i32
    %dma_start3A_256 = arith.constant 0 : i32
    %dma_start3A_257 = tpu.memref_slice %arg8[%dma_start3A_255, %dma_start3A_256] : memref<1000000x64xf32, #tpu.memory_space<hbm>> -> memref<1000000x64xf32, #tpu.memory_space<hbm>>
    tpu.enqueue_indirect_dma source(%dma_start3A_257 : memref<1000000x64xf32, #tpu.memory_space<hbm>>) target(%dma_start3A_252 : memref<16x64xf32, #tpu.memory_space<vmem>>) offsets(%dma_start3A_254 : memref<16xi32, #tpu.memory_space<vmem>>) semaphore(%arg23 : memref<!tpu.dma_semaphore, #tpu.memory_space<semaphore_mem>>)
    %dma_start3A_258 = arith.constant 80 : i32
    %dma_start3A_259 = arith.constant 0 : i32
    %dma_start3A_260 = tpu.memref_slice %arg19[%dma_start3A_258, %dma_start3A_259] : memref<128x64xf32, #tpu.memory_space<vmem>> -> memref<16x64xf32, #tpu.memory_space<vmem>>
    %dma_start3A_261 = arith.constant 80 : i32
    %dma_start3A_262 = tpu.memref_slice %arg13[%dma_start3A_261] : memref<128xi32, #tpu.memory_space<vmem>> -> memref<16xi32, #tpu.memory_space<vmem>>
    %dma_start3A_263 = arith.constant 0 : i32
    %dma_start3A_264 = arith.constant 0 : i32
    %dma_start3A_265 = tpu.memref_slice %arg8[%dma_start3A_263, %dma_start3A_264] : memref<1000000x64xf32, #tpu.memory_space<hbm>> -> memref<1000000x64xf32, #tpu.memory_space<hbm>>
    tpu.enqueue_indirect_dma source(%dma_start3A_265 : memref<1000000x64xf32, #tpu.memory_space<hbm>>) target(%dma_start3A_260 : memref<16x64xf32, #tpu.memory_space<vmem>>) offsets(%dma_start3A_262 : memref<16xi32, #tpu.memory_space<vmem>>) semaphore(%arg23 : memref<!tpu.dma_semaphore, #tpu.memory_space<semaphore_mem>>)
    %dma_start3A_266 = arith.constant 80 : i32
    %dma_start3A_267 = arith.constant 0 : i32
    %dma_start3A_268 = tpu.memref_slice %arg20[%dma_start3A_266, %dma_start3A_267] : memref<128x64xf32, #tpu.memory_space<vmem>> -> memref<16x64xf32, #tpu.memory_space<vmem>>
    %dma_start3A_269 = arith.constant 80 : i32
    %dma_start3A_270 = tpu.memref_slice %arg14[%dma_start3A_269] : memref<128xi32, #tpu.memory_space<vmem>> -> memref<16xi32, #tpu.memory_space<vmem>>
    %dma_start3A_271 = arith.constant 0 : i32
    %dma_start3A_272 = arith.constant 0 : i32
    %dma_start3A_273 = tpu.memref_slice %arg8[%dma_start3A_271, %dma_start3A_272] : memref<1000000x64xf32, #tpu.memory_space<hbm>> -> memref<1000000x64xf32, #tpu.memory_space<hbm>>
    tpu.enqueue_indirect_dma source(%dma_start3A_273 : memref<1000000x64xf32, #tpu.memory_space<hbm>>) target(%dma_start3A_268 : memref<16x64xf32, #tpu.memory_space<vmem>>) offsets(%dma_start3A_270 : memref<16xi32, #tpu.memory_space<vmem>>) semaphore(%arg23 : memref<!tpu.dma_semaphore, #tpu.memory_space<semaphore_mem>>)
    %dma_start3A_274 = arith.constant 80 : i32
    %dma_start3A_275 = arith.constant 0 : i32
    %dma_start3A_276 = tpu.memref_slice %arg21[%dma_start3A_274, %dma_start3A_275] : memref<128x64xf32, #tpu.memory_space<vmem>> -> memref<16x64xf32, #tpu.memory_space<vmem>>
    %dma_start3A_277 = arith.constant 80 : i32
    %dma_start3A_278 = tpu.memref_slice %arg15[%dma_start3A_277] : memref<128xi32, #tpu.memory_space<vmem>> -> memref<16xi32, #tpu.memory_space<vmem>>
    %dma_start3A_279 = arith.constant 0 : i32
    %dma_start3A_280 = arith.constant 0 : i32
    %dma_start3A_281 = tpu.memref_slice %arg9[%dma_start3A_279, %dma_start3A_280] : memref<1000x64xf32, #tpu.memory_space<hbm>> -> memref<1000x64xf32, #tpu.memory_space<hbm>>
    tpu.enqueue_indirect_dma source(%dma_start3A_281 : memref<1000x64xf32, #tpu.memory_space<hbm>>) target(%dma_start3A_276 : memref<16x64xf32, #tpu.memory_space<vmem>>) offsets(%dma_start3A_278 : memref<16xi32, #tpu.memory_space<vmem>>) semaphore(%arg23 : memref<!tpu.dma_semaphore, #tpu.memory_space<semaphore_mem>>)
    %dma_start3A_282 = arith.constant 80 : i32
    %dma_start3A_283 = arith.constant 0 : i32
    %dma_start3A_284 = tpu.memref_slice %arg22[%dma_start3A_282, %dma_start3A_283] : memref<128x64xf32, #tpu.memory_space<vmem>> -> memref<16x64xf32, #tpu.memory_space<vmem>>
    %dma_start3A_285 = arith.constant 80 : i32
    %dma_start3A_286 = tpu.memref_slice %arg16[%dma_start3A_285] : memref<128xi32, #tpu.memory_space<vmem>> -> memref<16xi32, #tpu.memory_space<vmem>>
    %dma_start3A_287 = arith.constant 0 : i32
    %dma_start3A_288 = arith.constant 0 : i32
    %dma_start3A_289 = tpu.memref_slice %arg9[%dma_start3A_287, %dma_start3A_288] : memref<1000x64xf32, #tpu.memory_space<hbm>> -> memref<1000x64xf32, #tpu.memory_space<hbm>>
    tpu.enqueue_indirect_dma source(%dma_start3A_289 : memref<1000x64xf32, #tpu.memory_space<hbm>>) target(%dma_start3A_284 : memref<16x64xf32, #tpu.memory_space<vmem>>) offsets(%dma_start3A_286 : memref<16xi32, #tpu.memory_space<vmem>>) semaphore(%arg23 : memref<!tpu.dma_semaphore, #tpu.memory_space<semaphore_mem>>)
    %dma_start3A_290 = arith.constant 96 : i32
    %dma_start3A_291 = arith.constant 0 : i32
    %dma_start3A_292 = tpu.memref_slice %arg17[%dma_start3A_290, %dma_start3A_291] : memref<128x64xf32, #tpu.memory_space<vmem>> -> memref<16x64xf32, #tpu.memory_space<vmem>>
    %dma_start3A_293 = arith.constant 96 : i32
    %dma_start3A_294 = tpu.memref_slice %arg11[%dma_start3A_293] : memref<128xi32, #tpu.memory_space<vmem>> -> memref<16xi32, #tpu.memory_space<vmem>>
    %dma_start3A_295 = arith.constant 0 : i32
    %dma_start3A_296 = arith.constant 0 : i32
    %dma_start3A_297 = tpu.memref_slice %arg8[%dma_start3A_295, %dma_start3A_296] : memref<1000000x64xf32, #tpu.memory_space<hbm>> -> memref<1000000x64xf32, #tpu.memory_space<hbm>>
    tpu.enqueue_indirect_dma source(%dma_start3A_297 : memref<1000000x64xf32, #tpu.memory_space<hbm>>) target(%dma_start3A_292 : memref<16x64xf32, #tpu.memory_space<vmem>>) offsets(%dma_start3A_294 : memref<16xi32, #tpu.memory_space<vmem>>) semaphore(%arg23 : memref<!tpu.dma_semaphore, #tpu.memory_space<semaphore_mem>>)
    %dma_start3A_298 = arith.constant 96 : i32
    %dma_start3A_299 = arith.constant 0 : i32
    %dma_start3A_300 = tpu.memref_slice %arg18[%dma_start3A_298, %dma_start3A_299] : memref<128x64xf32, #tpu.memory_space<vmem>> -> memref<16x64xf32, #tpu.memory_space<vmem>>
    %dma_start3A_301 = arith.constant 96 : i32
    %dma_start3A_302 = tpu.memref_slice %arg12[%dma_start3A_301] : memref<128xi32, #tpu.memory_space<vmem>> -> memref<16xi32, #tpu.memory_space<vmem>>
    %dma_start3A_303 = arith.constant 0 : i32
    %dma_start3A_304 = arith.constant 0 : i32
    %dma_start3A_305 = tpu.memref_slice %arg8[%dma_start3A_303, %dma_start3A_304] : memref<1000000x64xf32, #tpu.memory_space<hbm>> -> memref<1000000x64xf32, #tpu.memory_space<hbm>>
    tpu.enqueue_indirect_dma source(%dma_start3A_305 : memref<1000000x64xf32, #tpu.memory_space<hbm>>) target(%dma_start3A_300 : memref<16x64xf32, #tpu.memory_space<vmem>>) offsets(%dma_start3A_302 : memref<16xi32, #tpu.memory_space<vmem>>) semaphore(%arg23 : memref<!tpu.dma_semaphore, #tpu.memory_space<semaphore_mem>>)
    %dma_start3A_306 = arith.constant 96 : i32
    %dma_start3A_307 = arith.constant 0 : i32
    %dma_start3A_308 = tpu.memref_slice %arg19[%dma_start3A_306, %dma_start3A_307] : memref<128x64xf32, #tpu.memory_space<vmem>> -> memref<16x64xf32, #tpu.memory_space<vmem>>
    %dma_start3A_309 = arith.constant 96 : i32
    %dma_start3A_310 = tpu.memref_slice %arg13[%dma_start3A_309] : memref<128xi32, #tpu.memory_space<vmem>> -> memref<16xi32, #tpu.memory_space<vmem>>
    %dma_start3A_311 = arith.constant 0 : i32
    %dma_start3A_312 = arith.constant 0 : i32
    %dma_start3A_313 = tpu.memref_slice %arg8[%dma_start3A_311, %dma_start3A_312] : memref<1000000x64xf32, #tpu.memory_space<hbm>> -> memref<1000000x64xf32, #tpu.memory_space<hbm>>
    tpu.enqueue_indirect_dma source(%dma_start3A_313 : memref<1000000x64xf32, #tpu.memory_space<hbm>>) target(%dma_start3A_308 : memref<16x64xf32, #tpu.memory_space<vmem>>) offsets(%dma_start3A_310 : memref<16xi32, #tpu.memory_space<vmem>>) semaphore(%arg23 : memref<!tpu.dma_semaphore, #tpu.memory_space<semaphore_mem>>)
    %dma_start3A_314 = arith.constant 96 : i32
    %dma_start3A_315 = arith.constant 0 : i32
    %dma_start3A_316 = tpu.memref_slice %arg20[%dma_start3A_314, %dma_start3A_315] : memref<128x64xf32, #tpu.memory_space<vmem>> -> memref<16x64xf32, #tpu.memory_space<vmem>>
    %dma_start3A_317 = arith.constant 96 : i32
    %dma_start3A_318 = tpu.memref_slice %arg14[%dma_start3A_317] : memref<128xi32, #tpu.memory_space<vmem>> -> memref<16xi32, #tpu.memory_space<vmem>>
    %dma_start3A_319 = arith.constant 0 : i32
    %dma_start3A_320 = arith.constant 0 : i32
    %dma_start3A_321 = tpu.memref_slice %arg8[%dma_start3A_319, %dma_start3A_320] : memref<1000000x64xf32, #tpu.memory_space<hbm>> -> memref<1000000x64xf32, #tpu.memory_space<hbm>>
    tpu.enqueue_indirect_dma source(%dma_start3A_321 : memref<1000000x64xf32, #tpu.memory_space<hbm>>) target(%dma_start3A_316 : memref<16x64xf32, #tpu.memory_space<vmem>>) offsets(%dma_start3A_318 : memref<16xi32, #tpu.memory_space<vmem>>) semaphore(%arg23 : memref<!tpu.dma_semaphore, #tpu.memory_space<semaphore_mem>>)
    %dma_start3A_322 = arith.constant 96 : i32
    %dma_start3A_323 = arith.constant 0 : i32
    %dma_start3A_324 = tpu.memref_slice %arg21[%dma_start3A_322, %dma_start3A_323] : memref<128x64xf32, #tpu.memory_space<vmem>> -> memref<16x64xf32, #tpu.memory_space<vmem>>
    %dma_start3A_325 = arith.constant 96 : i32
    %dma_start3A_326 = tpu.memref_slice %arg15[%dma_start3A_325] : memref<128xi32, #tpu.memory_space<vmem>> -> memref<16xi32, #tpu.memory_space<vmem>>
    %dma_start3A_327 = arith.constant 0 : i32
    %dma_start3A_328 = arith.constant 0 : i32
    %dma_start3A_329 = tpu.memref_slice %arg9[%dma_start3A_327, %dma_start3A_328] : memref<1000x64xf32, #tpu.memory_space<hbm>> -> memref<1000x64xf32, #tpu.memory_space<hbm>>
    tpu.enqueue_indirect_dma source(%dma_start3A_329 : memref<1000x64xf32, #tpu.memory_space<hbm>>) target(%dma_start3A_324 : memref<16x64xf32, #tpu.memory_space<vmem>>) offsets(%dma_start3A_326 : memref<16xi32, #tpu.memory_space<vmem>>) semaphore(%arg23 : memref<!tpu.dma_semaphore, #tpu.memory_space<semaphore_mem>>)
    %dma_start3A_330 = arith.constant 96 : i32
    %dma_start3A_331 = arith.constant 0 : i32
    %dma_start3A_332 = tpu.memref_slice %arg22[%dma_start3A_330, %dma_start3A_331] : memref<128x64xf32, #tpu.memory_space<vmem>> -> memref<16x64xf32, #tpu.memory_space<vmem>>
    %dma_start3A_333 = arith.constant 96 : i32
    %dma_start3A_334 = tpu.memref_slice %arg16[%dma_start3A_333] : memref<128xi32, #tpu.memory_space<vmem>> -> memref<16xi32, #tpu.memory_space<vmem>>
    %dma_start3A_335 = arith.constant 0 : i32
    %dma_start3A_336 = arith.constant 0 : i32
    %dma_start3A_337 = tpu.memref_slice %arg9[%dma_start3A_335, %dma_start3A_336] : memref<1000x64xf32, #tpu.memory_space<hbm>> -> memref<1000x64xf32, #tpu.memory_space<hbm>>
    tpu.enqueue_indirect_dma source(%dma_start3A_337 : memref<1000x64xf32, #tpu.memory_space<hbm>>) target(%dma_start3A_332 : memref<16x64xf32, #tpu.memory_space<vmem>>) offsets(%dma_start3A_334 : memref<16xi32, #tpu.memory_space<vmem>>) semaphore(%arg23 : memref<!tpu.dma_semaphore, #tpu.memory_space<semaphore_mem>>)
    %dma_start3A_338 = arith.constant 112 : i32
    %dma_start3A_339 = arith.constant 0 : i32
    %dma_start3A_340 = tpu.memref_slice %arg17[%dma_start3A_338, %dma_start3A_339] : memref<128x64xf32, #tpu.memory_space<vmem>> -> memref<16x64xf32, #tpu.memory_space<vmem>>
    %dma_start3A_341 = arith.constant 112 : i32
    %dma_start3A_342 = tpu.memref_slice %arg11[%dma_start3A_341] : memref<128xi32, #tpu.memory_space<vmem>> -> memref<16xi32, #tpu.memory_space<vmem>>
    %dma_start3A_343 = arith.constant 0 : i32
    %dma_start3A_344 = arith.constant 0 : i32
    %dma_start3A_345 = tpu.memref_slice %arg8[%dma_start3A_343, %dma_start3A_344] : memref<1000000x64xf32, #tpu.memory_space<hbm>> -> memref<1000000x64xf32, #tpu.memory_space<hbm>>
    tpu.enqueue_indirect_dma source(%dma_start3A_345 : memref<1000000x64xf32, #tpu.memory_space<hbm>>) target(%dma_start3A_340 : memref<16x64xf32, #tpu.memory_space<vmem>>) offsets(%dma_start3A_342 : memref<16xi32, #tpu.memory_space<vmem>>) semaphore(%arg23 : memref<!tpu.dma_semaphore, #tpu.memory_space<semaphore_mem>>)
    %dma_start3A_346 = arith.constant 112 : i32
    %dma_start3A_347 = arith.constant 0 : i32
    %dma_start3A_348 = tpu.memref_slice %arg18[%dma_start3A_346, %dma_start3A_347] : memref<128x64xf32, #tpu.memory_space<vmem>> -> memref<16x64xf32, #tpu.memory_space<vmem>>
    %dma_start3A_349 = arith.constant 112 : i32
    %dma_start3A_350 = tpu.memref_slice %arg12[%dma_start3A_349] : memref<128xi32, #tpu.memory_space<vmem>> -> memref<16xi32, #tpu.memory_space<vmem>>
    %dma_start3A_351 = arith.constant 0 : i32
    %dma_start3A_352 = arith.constant 0 : i32
    %dma_start3A_353 = tpu.memref_slice %arg8[%dma_start3A_351, %dma_start3A_352] : memref<1000000x64xf32, #tpu.memory_space<hbm>> -> memref<1000000x64xf32, #tpu.memory_space<hbm>>
    tpu.enqueue_indirect_dma source(%dma_start3A_353 : memref<1000000x64xf32, #tpu.memory_space<hbm>>) target(%dma_start3A_348 : memref<16x64xf32, #tpu.memory_space<vmem>>) offsets(%dma_start3A_350 : memref<16xi32, #tpu.memory_space<vmem>>) semaphore(%arg23 : memref<!tpu.dma_semaphore, #tpu.memory_space<semaphore_mem>>)
    %dma_start3A_354 = arith.constant 112 : i32
    %dma_start3A_355 = arith.constant 0 : i32
    %dma_start3A_356 = tpu.memref_slice %arg19[%dma_start3A_354, %dma_start3A_355] : memref<128x64xf32, #tpu.memory_space<vmem>> -> memref<16x64xf32, #tpu.memory_space<vmem>>
    %dma_start3A_357 = arith.constant 112 : i32
    %dma_start3A_358 = tpu.memref_slice %arg13[%dma_start3A_357] : memref<128xi32, #tpu.memory_space<vmem>> -> memref<16xi32, #tpu.memory_space<vmem>>
    %dma_start3A_359 = arith.constant 0 : i32
    %dma_start3A_360 = arith.constant 0 : i32
    %dma_start3A_361 = tpu.memref_slice %arg8[%dma_start3A_359, %dma_start3A_360] : memref<1000000x64xf32, #tpu.memory_space<hbm>> -> memref<1000000x64xf32, #tpu.memory_space<hbm>>
    tpu.enqueue_indirect_dma source(%dma_start3A_361 : memref<1000000x64xf32, #tpu.memory_space<hbm>>) target(%dma_start3A_356 : memref<16x64xf32, #tpu.memory_space<vmem>>) offsets(%dma_start3A_358 : memref<16xi32, #tpu.memory_space<vmem>>) semaphore(%arg23 : memref<!tpu.dma_semaphore, #tpu.memory_space<semaphore_mem>>)
    %dma_start3A_362 = arith.constant 112 : i32
    %dma_start3A_363 = arith.constant 0 : i32
    %dma_start3A_364 = tpu.memref_slice %arg20[%dma_start3A_362, %dma_start3A_363] : memref<128x64xf32, #tpu.memory_space<vmem>> -> memref<16x64xf32, #tpu.memory_space<vmem>>
    %dma_start3A_365 = arith.constant 112 : i32
    %dma_start3A_366 = tpu.memref_slice %arg14[%dma_start3A_365] : memref<128xi32, #tpu.memory_space<vmem>> -> memref<16xi32, #tpu.memory_space<vmem>>
    %dma_start3A_367 = arith.constant 0 : i32
    %dma_start3A_368 = arith.constant 0 : i32
    %dma_start3A_369 = tpu.memref_slice %arg8[%dma_start3A_367, %dma_start3A_368] : memref<1000000x64xf32, #tpu.memory_space<hbm>> -> memref<1000000x64xf32, #tpu.memory_space<hbm>>
    tpu.enqueue_indirect_dma source(%dma_start3A_369 : memref<1000000x64xf32, #tpu.memory_space<hbm>>) target(%dma_start3A_364 : memref<16x64xf32, #tpu.memory_space<vmem>>) offsets(%dma_start3A_366 : memref<16xi32, #tpu.memory_space<vmem>>) semaphore(%arg23 : memref<!tpu.dma_semaphore, #tpu.memory_space<semaphore_mem>>)
    %dma_start3A_370 = arith.constant 112 : i32
    %dma_start3A_371 = arith.constant 0 : i32
    %dma_start3A_372 = tpu.memref_slice %arg21[%dma_start3A_370, %dma_start3A_371] : memref<128x64xf32, #tpu.memory_space<vmem>> -> memref<16x64xf32, #tpu.memory_space<vmem>>
    %dma_start3A_373 = arith.constant 112 : i32
    %dma_start3A_374 = tpu.memref_slice %arg15[%dma_start3A_373] : memref<128xi32, #tpu.memory_space<vmem>> -> memref<16xi32, #tpu.memory_space<vmem>>
    %dma_start3A_375 = arith.constant 0 : i32
    %dma_start3A_376 = arith.constant 0 : i32
    %dma_start3A_377 = tpu.memref_slice %arg9[%dma_start3A_375, %dma_start3A_376] : memref<1000x64xf32, #tpu.memory_space<hbm>> -> memref<1000x64xf32, #tpu.memory_space<hbm>>
    tpu.enqueue_indirect_dma source(%dma_start3A_377 : memref<1000x64xf32, #tpu.memory_space<hbm>>) target(%dma_start3A_372 : memref<16x64xf32, #tpu.memory_space<vmem>>) offsets(%dma_start3A_374 : memref<16xi32, #tpu.memory_space<vmem>>) semaphore(%arg23 : memref<!tpu.dma_semaphore, #tpu.memory_space<semaphore_mem>>)
    %dma_start3A_378 = arith.constant 112 : i32
    %dma_start3A_379 = arith.constant 0 : i32
    %dma_start3A_380 = tpu.memref_slice %arg22[%dma_start3A_378, %dma_start3A_379] : memref<128x64xf32, #tpu.memory_space<vmem>> -> memref<16x64xf32, #tpu.memory_space<vmem>>
    %dma_start3A_381 = arith.constant 112 : i32
    %dma_start3A_382 = tpu.memref_slice %arg16[%dma_start3A_381] : memref<128xi32, #tpu.memory_space<vmem>> -> memref<16xi32, #tpu.memory_space<vmem>>
    %dma_start3A_383 = arith.constant 0 : i32
    %dma_start3A_384 = arith.constant 0 : i32
    %dma_start3A_385 = tpu.memref_slice %arg9[%dma_start3A_383, %dma_start3A_384] : memref<1000x64xf32, #tpu.memory_space<hbm>> -> memref<1000x64xf32, #tpu.memory_space<hbm>>
    tpu.enqueue_indirect_dma source(%dma_start3A_385 : memref<1000x64xf32, #tpu.memory_space<hbm>>) target(%dma_start3A_380 : memref<16x64xf32, #tpu.memory_space<vmem>>) offsets(%dma_start3A_382 : memref<16xi32, #tpu.memory_space<vmem>>) semaphore(%arg23 : memref<!tpu.dma_semaphore, #tpu.memory_space<semaphore_mem>>)
    %dma_wait3A = arith.constant 0 : i32
    %dma_wait3A_386 = arith.constant 0 : i32
    %dma_wait3A_387 = tpu.memref_slice %arg17[%dma_wait3A, %dma_wait3A_386] : memref<128x64xf32, #tpu.memory_space<vmem>> -> memref<16x64xf32, #tpu.memory_space<vmem>>
    %dma_wait3A_388 = arith.constant 0 : i32
    %dma_wait3A_389 = tpu.memref_slice %arg11[%dma_wait3A_388] : memref<128xi32, #tpu.memory_space<vmem>> -> memref<16xi32, #tpu.memory_space<vmem>>
    %dma_wait3A_390 = arith.constant 0 : i32
    %dma_wait3A_391 = arith.constant 0 : i32
    %dma_wait3A_392 = tpu.memref_slice %arg8[%dma_wait3A_390, %dma_wait3A_391] : memref<1000000x64xf32, #tpu.memory_space<hbm>> -> memref<1000000x64xf32, #tpu.memory_space<hbm>>
    tpu.wait_indirect_dma semaphore(%arg23 : memref<!tpu.dma_semaphore, #tpu.memory_space<semaphore_mem>>) src(%dma_wait3A_392 : memref<1000000x64xf32, #tpu.memory_space<hbm>>) dst(%dma_wait3A_387 : memref<16x64xf32, #tpu.memory_space<vmem>>)
    %dma_wait3A_393 = arith.constant 0 : i32
    %dma_wait3A_394 = arith.constant 0 : i32
    %dma_wait3A_395 = tpu.memref_slice %arg18[%dma_wait3A_393, %dma_wait3A_394] : memref<128x64xf32, #tpu.memory_space<vmem>> -> memref<16x64xf32, #tpu.memory_space<vmem>>
    %dma_wait3A_396 = arith.constant 0 : i32
    %dma_wait3A_397 = tpu.memref_slice %arg12[%dma_wait3A_396] : memref<128xi32, #tpu.memory_space<vmem>> -> memref<16xi32, #tpu.memory_space<vmem>>
    %dma_wait3A_398 = arith.constant 0 : i32
    %dma_wait3A_399 = arith.constant 0 : i32
    %dma_wait3A_400 = tpu.memref_slice %arg8[%dma_wait3A_398, %dma_wait3A_399] : memref<1000000x64xf32, #tpu.memory_space<hbm>> -> memref<1000000x64xf32, #tpu.memory_space<hbm>>
    tpu.wait_indirect_dma semaphore(%arg23 : memref<!tpu.dma_semaphore, #tpu.memory_space<semaphore_mem>>) src(%dma_wait3A_400 : memref<1000000x64xf32, #tpu.memory_space<hbm>>) dst(%dma_wait3A_395 : memref<16x64xf32, #tpu.memory_space<vmem>>)
    %dma_wait3A_401 = arith.constant 0 : i32
    %dma_wait3A_402 = arith.constant 0 : i32
    %dma_wait3A_403 = tpu.memref_slice %arg19[%dma_wait3A_401, %dma_wait3A_402] : memref<128x64xf32, #tpu.memory_space<vmem>> -> memref<16x64xf32, #tpu.memory_space<vmem>>
    %dma_wait3A_404 = arith.constant 0 : i32
    %dma_wait3A_405 = tpu.memref_slice %arg13[%dma_wait3A_404] : memref<128xi32, #tpu.memory_space<vmem>> -> memref<16xi32, #tpu.memory_space<vmem>>
    %dma_wait3A_406 = arith.constant 0 : i32
    %dma_wait3A_407 = arith.constant 0 : i32
    %dma_wait3A_408 = tpu.memref_slice %arg8[%dma_wait3A_406, %dma_wait3A_407] : memref<1000000x64xf32, #tpu.memory_space<hbm>> -> memref<1000000x64xf32, #tpu.memory_space<hbm>>
    tpu.wait_indirect_dma semaphore(%arg23 : memref<!tpu.dma_semaphore, #tpu.memory_space<semaphore_mem>>) src(%dma_wait3A_408 : memref<1000000x64xf32, #tpu.memory_space<hbm>>) dst(%dma_wait3A_403 : memref<16x64xf32, #tpu.memory_space<vmem>>)
    %dma_wait3A_409 = arith.constant 0 : i32
    %dma_wait3A_410 = arith.constant 0 : i32
    %dma_wait3A_411 = tpu.memref_slice %arg20[%dma_wait3A_409, %dma_wait3A_410] : memref<128x64xf32, #tpu.memory_space<vmem>> -> memref<16x64xf32, #tpu.memory_space<vmem>>
    %dma_wait3A_412 = arith.constant 0 : i32
    %dma_wait3A_413 = tpu.memref_slice %arg14[%dma_wait3A_412] : memref<128xi32, #tpu.memory_space<vmem>> -> memref<16xi32, #tpu.memory_space<vmem>>
    %dma_wait3A_414 = arith.constant 0 : i32
    %dma_wait3A_415 = arith.constant 0 : i32
    %dma_wait3A_416 = tpu.memref_slice %arg8[%dma_wait3A_414, %dma_wait3A_415] : memref<1000000x64xf32, #tpu.memory_space<hbm>> -> memref<1000000x64xf32, #tpu.memory_space<hbm>>
    tpu.wait_indirect_dma semaphore(%arg23 : memref<!tpu.dma_semaphore, #tpu.memory_space<semaphore_mem>>) src(%dma_wait3A_416 : memref<1000000x64xf32, #tpu.memory_space<hbm>>) dst(%dma_wait3A_411 : memref<16x64xf32, #tpu.memory_space<vmem>>)
    %dma_wait3A_417 = arith.constant 0 : i32
    %dma_wait3A_418 = arith.constant 0 : i32
    %dma_wait3A_419 = tpu.memref_slice %arg21[%dma_wait3A_417, %dma_wait3A_418] : memref<128x64xf32, #tpu.memory_space<vmem>> -> memref<16x64xf32, #tpu.memory_space<vmem>>
    %dma_wait3A_420 = arith.constant 0 : i32
    %dma_wait3A_421 = tpu.memref_slice %arg15[%dma_wait3A_420] : memref<128xi32, #tpu.memory_space<vmem>> -> memref<16xi32, #tpu.memory_space<vmem>>
    %dma_wait3A_422 = arith.constant 0 : i32
    %dma_wait3A_423 = arith.constant 0 : i32
    %dma_wait3A_424 = tpu.memref_slice %arg9[%dma_wait3A_422, %dma_wait3A_423] : memref<1000x64xf32, #tpu.memory_space<hbm>> -> memref<1000x64xf32, #tpu.memory_space<hbm>>
    tpu.wait_indirect_dma semaphore(%arg23 : memref<!tpu.dma_semaphore, #tpu.memory_space<semaphore_mem>>) src(%dma_wait3A_424 : memref<1000x64xf32, #tpu.memory_space<hbm>>) dst(%dma_wait3A_419 : memref<16x64xf32, #tpu.memory_space<vmem>>)
    %dma_wait3A_425 = arith.constant 0 : i32
    %dma_wait3A_426 = arith.constant 0 : i32
    %dma_wait3A_427 = tpu.memref_slice %arg22[%dma_wait3A_425, %dma_wait3A_426] : memref<128x64xf32, #tpu.memory_space<vmem>> -> memref<16x64xf32, #tpu.memory_space<vmem>>
    %dma_wait3A_428 = arith.constant 0 : i32
    %dma_wait3A_429 = tpu.memref_slice %arg16[%dma_wait3A_428] : memref<128xi32, #tpu.memory_space<vmem>> -> memref<16xi32, #tpu.memory_space<vmem>>
    %dma_wait3A_430 = arith.constant 0 : i32
    %dma_wait3A_431 = arith.constant 0 : i32
    %dma_wait3A_432 = tpu.memref_slice %arg9[%dma_wait3A_430, %dma_wait3A_431] : memref<1000x64xf32, #tpu.memory_space<hbm>> -> memref<1000x64xf32, #tpu.memory_space<hbm>>
    tpu.wait_indirect_dma semaphore(%arg23 : memref<!tpu.dma_semaphore, #tpu.memory_space<semaphore_mem>>) src(%dma_wait3A_432 : memref<1000x64xf32, #tpu.memory_space<hbm>>) dst(%dma_wait3A_427 : memref<16x64xf32, #tpu.memory_space<vmem>>)
    %dma_wait3A_433 = arith.constant 16 : i32
    %dma_wait3A_434 = arith.constant 0 : i32
    %dma_wait3A_435 = tpu.memref_slice %arg17[%dma_wait3A_433, %dma_wait3A_434] : memref<128x64xf32, #tpu.memory_space<vmem>> -> memref<16x64xf32, #tpu.memory_space<vmem>>
    %dma_wait3A_436 = arith.constant 16 : i32
    %dma_wait3A_437 = tpu.memref_slice %arg11[%dma_wait3A_436] : memref<128xi32, #tpu.memory_space<vmem>> -> memref<16xi32, #tpu.memory_space<vmem>>
    %dma_wait3A_438 = arith.constant 0 : i32
    %dma_wait3A_439 = arith.constant 0 : i32
    %dma_wait3A_440 = tpu.memref_slice %arg8[%dma_wait3A_438, %dma_wait3A_439] : memref<1000000x64xf32, #tpu.memory_space<hbm>> -> memref<1000000x64xf32, #tpu.memory_space<hbm>>
    tpu.wait_indirect_dma semaphore(%arg23 : memref<!tpu.dma_semaphore, #tpu.memory_space<semaphore_mem>>) src(%dma_wait3A_440 : memref<1000000x64xf32, #tpu.memory_space<hbm>>) dst(%dma_wait3A_435 : memref<16x64xf32, #tpu.memory_space<vmem>>)
    %dma_wait3A_441 = arith.constant 16 : i32
    %dma_wait3A_442 = arith.constant 0 : i32
    %dma_wait3A_443 = tpu.memref_slice %arg18[%dma_wait3A_441, %dma_wait3A_442] : memref<128x64xf32, #tpu.memory_space<vmem>> -> memref<16x64xf32, #tpu.memory_space<vmem>>
    %dma_wait3A_444 = arith.constant 16 : i32
    %dma_wait3A_445 = tpu.memref_slice %arg12[%dma_wait3A_444] : memref<128xi32, #tpu.memory_space<vmem>> -> memref<16xi32, #tpu.memory_space<vmem>>
    %dma_wait3A_446 = arith.constant 0 : i32
    %dma_wait3A_447 = arith.constant 0 : i32
    %dma_wait3A_448 = tpu.memref_slice %arg8[%dma_wait3A_446, %dma_wait3A_447] : memref<1000000x64xf32, #tpu.memory_space<hbm>> -> memref<1000000x64xf32, #tpu.memory_space<hbm>>
    tpu.wait_indirect_dma semaphore(%arg23 : memref<!tpu.dma_semaphore, #tpu.memory_space<semaphore_mem>>) src(%dma_wait3A_448 : memref<1000000x64xf32, #tpu.memory_space<hbm>>) dst(%dma_wait3A_443 : memref<16x64xf32, #tpu.memory_space<vmem>>)
    %dma_wait3A_449 = arith.constant 16 : i32
    %dma_wait3A_450 = arith.constant 0 : i32
    %dma_wait3A_451 = tpu.memref_slice %arg19[%dma_wait3A_449, %dma_wait3A_450] : memref<128x64xf32, #tpu.memory_space<vmem>> -> memref<16x64xf32, #tpu.memory_space<vmem>>
    %dma_wait3A_452 = arith.constant 16 : i32
    %dma_wait3A_453 = tpu.memref_slice %arg13[%dma_wait3A_452] : memref<128xi32, #tpu.memory_space<vmem>> -> memref<16xi32, #tpu.memory_space<vmem>>
    %dma_wait3A_454 = arith.constant 0 : i32
    %dma_wait3A_455 = arith.constant 0 : i32
    %dma_wait3A_456 = tpu.memref_slice %arg8[%dma_wait3A_454, %dma_wait3A_455] : memref<1000000x64xf32, #tpu.memory_space<hbm>> -> memref<1000000x64xf32, #tpu.memory_space<hbm>>
    tpu.wait_indirect_dma semaphore(%arg23 : memref<!tpu.dma_semaphore, #tpu.memory_space<semaphore_mem>>) src(%dma_wait3A_456 : memref<1000000x64xf32, #tpu.memory_space<hbm>>) dst(%dma_wait3A_451 : memref<16x64xf32, #tpu.memory_space<vmem>>)
    %dma_wait3A_457 = arith.constant 16 : i32
    %dma_wait3A_458 = arith.constant 0 : i32
    %dma_wait3A_459 = tpu.memref_slice %arg20[%dma_wait3A_457, %dma_wait3A_458] : memref<128x64xf32, #tpu.memory_space<vmem>> -> memref<16x64xf32, #tpu.memory_space<vmem>>
    %dma_wait3A_460 = arith.constant 16 : i32
    %dma_wait3A_461 = tpu.memref_slice %arg14[%dma_wait3A_460] : memref<128xi32, #tpu.memory_space<vmem>> -> memref<16xi32, #tpu.memory_space<vmem>>
    %dma_wait3A_462 = arith.constant 0 : i32
    %dma_wait3A_463 = arith.constant 0 : i32
    %dma_wait3A_464 = tpu.memref_slice %arg8[%dma_wait3A_462, %dma_wait3A_463] : memref<1000000x64xf32, #tpu.memory_space<hbm>> -> memref<1000000x64xf32, #tpu.memory_space<hbm>>
    tpu.wait_indirect_dma semaphore(%arg23 : memref<!tpu.dma_semaphore, #tpu.memory_space<semaphore_mem>>) src(%dma_wait3A_464 : memref<1000000x64xf32, #tpu.memory_space<hbm>>) dst(%dma_wait3A_459 : memref<16x64xf32, #tpu.memory_space<vmem>>)
    %dma_wait3A_465 = arith.constant 16 : i32
    %dma_wait3A_466 = arith.constant 0 : i32
    %dma_wait3A_467 = tpu.memref_slice %arg21[%dma_wait3A_465, %dma_wait3A_466] : memref<128x64xf32, #tpu.memory_space<vmem>> -> memref<16x64xf32, #tpu.memory_space<vmem>>
    %dma_wait3A_468 = arith.constant 16 : i32
    %dma_wait3A_469 = tpu.memref_slice %arg15[%dma_wait3A_468] : memref<128xi32, #tpu.memory_space<vmem>> -> memref<16xi32, #tpu.memory_space<vmem>>
    %dma_wait3A_470 = arith.constant 0 : i32
    %dma_wait3A_471 = arith.constant 0 : i32
    %dma_wait3A_472 = tpu.memref_slice %arg9[%dma_wait3A_470, %dma_wait3A_471] : memref<1000x64xf32, #tpu.memory_space<hbm>> -> memref<1000x64xf32, #tpu.memory_space<hbm>>
    tpu.wait_indirect_dma semaphore(%arg23 : memref<!tpu.dma_semaphore, #tpu.memory_space<semaphore_mem>>) src(%dma_wait3A_472 : memref<1000x64xf32, #tpu.memory_space<hbm>>) dst(%dma_wait3A_467 : memref<16x64xf32, #tpu.memory_space<vmem>>)
    %dma_wait3A_473 = arith.constant 16 : i32
    %dma_wait3A_474 = arith.constant 0 : i32
    %dma_wait3A_475 = tpu.memref_slice %arg22[%dma_wait3A_473, %dma_wait3A_474] : memref<128x64xf32, #tpu.memory_space<vmem>> -> memref<16x64xf32, #tpu.memory_space<vmem>>
    %dma_wait3A_476 = arith.constant 16 : i32
    %dma_wait3A_477 = tpu.memref_slice %arg16[%dma_wait3A_476] : memref<128xi32, #tpu.memory_space<vmem>> -> memref<16xi32, #tpu.memory_space<vmem>>
    %dma_wait3A_478 = arith.constant 0 : i32
    %dma_wait3A_479 = arith.constant 0 : i32
    %dma_wait3A_480 = tpu.memref_slice %arg9[%dma_wait3A_478, %dma_wait3A_479] : memref<1000x64xf32, #tpu.memory_space<hbm>> -> memref<1000x64xf32, #tpu.memory_space<hbm>>
    tpu.wait_indirect_dma semaphore(%arg23 : memref<!tpu.dma_semaphore, #tpu.memory_space<semaphore_mem>>) src(%dma_wait3A_480 : memref<1000x64xf32, #tpu.memory_space<hbm>>) dst(%dma_wait3A_475 : memref<16x64xf32, #tpu.memory_space<vmem>>)
    %dma_wait3A_481 = arith.constant 32 : i32
    %dma_wait3A_482 = arith.constant 0 : i32
    %dma_wait3A_483 = tpu.memref_slice %arg17[%dma_wait3A_481, %dma_wait3A_482] : memref<128x64xf32, #tpu.memory_space<vmem>> -> memref<16x64xf32, #tpu.memory_space<vmem>>
    %dma_wait3A_484 = arith.constant 32 : i32
    %dma_wait3A_485 = tpu.memref_slice %arg11[%dma_wait3A_484] : memref<128xi32, #tpu.memory_space<vmem>> -> memref<16xi32, #tpu.memory_space<vmem>>
    %dma_wait3A_486 = arith.constant 0 : i32
    %dma_wait3A_487 = arith.constant 0 : i32
    %dma_wait3A_488 = tpu.memref_slice %arg8[%dma_wait3A_486, %dma_wait3A_487] : memref<1000000x64xf32, #tpu.memory_space<hbm>> -> memref<1000000x64xf32, #tpu.memory_space<hbm>>
    tpu.wait_indirect_dma semaphore(%arg23 : memref<!tpu.dma_semaphore, #tpu.memory_space<semaphore_mem>>) src(%dma_wait3A_488 : memref<1000000x64xf32, #tpu.memory_space<hbm>>) dst(%dma_wait3A_483 : memref<16x64xf32, #tpu.memory_space<vmem>>)
    %dma_wait3A_489 = arith.constant 32 : i32
    %dma_wait3A_490 = arith.constant 0 : i32
    %dma_wait3A_491 = tpu.memref_slice %arg18[%dma_wait3A_489, %dma_wait3A_490] : memref<128x64xf32, #tpu.memory_space<vmem>> -> memref<16x64xf32, #tpu.memory_space<vmem>>
    %dma_wait3A_492 = arith.constant 32 : i32
    %dma_wait3A_493 = tpu.memref_slice %arg12[%dma_wait3A_492] : memref<128xi32, #tpu.memory_space<vmem>> -> memref<16xi32, #tpu.memory_space<vmem>>
    %dma_wait3A_494 = arith.constant 0 : i32
    %dma_wait3A_495 = arith.constant 0 : i32
    %dma_wait3A_496 = tpu.memref_slice %arg8[%dma_wait3A_494, %dma_wait3A_495] : memref<1000000x64xf32, #tpu.memory_space<hbm>> -> memref<1000000x64xf32, #tpu.memory_space<hbm>>
    tpu.wait_indirect_dma semaphore(%arg23 : memref<!tpu.dma_semaphore, #tpu.memory_space<semaphore_mem>>) src(%dma_wait3A_496 : memref<1000000x64xf32, #tpu.memory_space<hbm>>) dst(%dma_wait3A_491 : memref<16x64xf32, #tpu.memory_space<vmem>>)
    %dma_wait3A_497 = arith.constant 32 : i32
    %dma_wait3A_498 = arith.constant 0 : i32
    %dma_wait3A_499 = tpu.memref_slice %arg19[%dma_wait3A_497, %dma_wait3A_498] : memref<128x64xf32, #tpu.memory_space<vmem>> -> memref<16x64xf32, #tpu.memory_space<vmem>>
    %dma_wait3A_500 = arith.constant 32 : i32
    %dma_wait3A_501 = tpu.memref_slice %arg13[%dma_wait3A_500] : memref<128xi32, #tpu.memory_space<vmem>> -> memref<16xi32, #tpu.memory_space<vmem>>
    %dma_wait3A_502 = arith.constant 0 : i32
    %dma_wait3A_503 = arith.constant 0 : i32
    %dma_wait3A_504 = tpu.memref_slice %arg8[%dma_wait3A_502, %dma_wait3A_503] : memref<1000000x64xf32, #tpu.memory_space<hbm>> -> memref<1000000x64xf32, #tpu.memory_space<hbm>>
    tpu.wait_indirect_dma semaphore(%arg23 : memref<!tpu.dma_semaphore, #tpu.memory_space<semaphore_mem>>) src(%dma_wait3A_504 : memref<1000000x64xf32, #tpu.memory_space<hbm>>) dst(%dma_wait3A_499 : memref<16x64xf32, #tpu.memory_space<vmem>>)
    %dma_wait3A_505 = arith.constant 32 : i32
    %dma_wait3A_506 = arith.constant 0 : i32
    %dma_wait3A_507 = tpu.memref_slice %arg20[%dma_wait3A_505, %dma_wait3A_506] : memref<128x64xf32, #tpu.memory_space<vmem>> -> memref<16x64xf32, #tpu.memory_space<vmem>>
    %dma_wait3A_508 = arith.constant 32 : i32
    %dma_wait3A_509 = tpu.memref_slice %arg14[%dma_wait3A_508] : memref<128xi32, #tpu.memory_space<vmem>> -> memref<16xi32, #tpu.memory_space<vmem>>
    %dma_wait3A_510 = arith.constant 0 : i32
    %dma_wait3A_511 = arith.constant 0 : i32
    %dma_wait3A_512 = tpu.memref_slice %arg8[%dma_wait3A_510, %dma_wait3A_511] : memref<1000000x64xf32, #tpu.memory_space<hbm>> -> memref<1000000x64xf32, #tpu.memory_space<hbm>>
    tpu.wait_indirect_dma semaphore(%arg23 : memref<!tpu.dma_semaphore, #tpu.memory_space<semaphore_mem>>) src(%dma_wait3A_512 : memref<1000000x64xf32, #tpu.memory_space<hbm>>) dst(%dma_wait3A_507 : memref<16x64xf32, #tpu.memory_space<vmem>>)
    %dma_wait3A_513 = arith.constant 32 : i32
    %dma_wait3A_514 = arith.constant 0 : i32
    %dma_wait3A_515 = tpu.memref_slice %arg21[%dma_wait3A_513, %dma_wait3A_514] : memref<128x64xf32, #tpu.memory_space<vmem>> -> memref<16x64xf32, #tpu.memory_space<vmem>>
    %dma_wait3A_516 = arith.constant 32 : i32
    %dma_wait3A_517 = tpu.memref_slice %arg15[%dma_wait3A_516] : memref<128xi32, #tpu.memory_space<vmem>> -> memref<16xi32, #tpu.memory_space<vmem>>
    %dma_wait3A_518 = arith.constant 0 : i32
    %dma_wait3A_519 = arith.constant 0 : i32
    %dma_wait3A_520 = tpu.memref_slice %arg9[%dma_wait3A_518, %dma_wait3A_519] : memref<1000x64xf32, #tpu.memory_space<hbm>> -> memref<1000x64xf32, #tpu.memory_space<hbm>>
    tpu.wait_indirect_dma semaphore(%arg23 : memref<!tpu.dma_semaphore, #tpu.memory_space<semaphore_mem>>) src(%dma_wait3A_520 : memref<1000x64xf32, #tpu.memory_space<hbm>>) dst(%dma_wait3A_515 : memref<16x64xf32, #tpu.memory_space<vmem>>)
    %dma_wait3A_521 = arith.constant 32 : i32
    %dma_wait3A_522 = arith.constant 0 : i32
    %dma_wait3A_523 = tpu.memref_slice %arg22[%dma_wait3A_521, %dma_wait3A_522] : memref<128x64xf32, #tpu.memory_space<vmem>> -> memref<16x64xf32, #tpu.memory_space<vmem>>
    %dma_wait3A_524 = arith.constant 32 : i32
    %dma_wait3A_525 = tpu.memref_slice %arg16[%dma_wait3A_524] : memref<128xi32, #tpu.memory_space<vmem>> -> memref<16xi32, #tpu.memory_space<vmem>>
    %dma_wait3A_526 = arith.constant 0 : i32
    %dma_wait3A_527 = arith.constant 0 : i32
    %dma_wait3A_528 = tpu.memref_slice %arg9[%dma_wait3A_526, %dma_wait3A_527] : memref<1000x64xf32, #tpu.memory_space<hbm>> -> memref<1000x64xf32, #tpu.memory_space<hbm>>
    tpu.wait_indirect_dma semaphore(%arg23 : memref<!tpu.dma_semaphore, #tpu.memory_space<semaphore_mem>>) src(%dma_wait3A_528 : memref<1000x64xf32, #tpu.memory_space<hbm>>) dst(%dma_wait3A_523 : memref<16x64xf32, #tpu.memory_space<vmem>>)
    %dma_wait3A_529 = arith.constant 48 : i32
    %dma_wait3A_530 = arith.constant 0 : i32
    %dma_wait3A_531 = tpu.memref_slice %arg17[%dma_wait3A_529, %dma_wait3A_530] : memref<128x64xf32, #tpu.memory_space<vmem>> -> memref<16x64xf32, #tpu.memory_space<vmem>>
    %dma_wait3A_532 = arith.constant 48 : i32
    %dma_wait3A_533 = tpu.memref_slice %arg11[%dma_wait3A_532] : memref<128xi32, #tpu.memory_space<vmem>> -> memref<16xi32, #tpu.memory_space<vmem>>
    %dma_wait3A_534 = arith.constant 0 : i32
    %dma_wait3A_535 = arith.constant 0 : i32
    %dma_wait3A_536 = tpu.memref_slice %arg8[%dma_wait3A_534, %dma_wait3A_535] : memref<1000000x64xf32, #tpu.memory_space<hbm>> -> memref<1000000x64xf32, #tpu.memory_space<hbm>>
    tpu.wait_indirect_dma semaphore(%arg23 : memref<!tpu.dma_semaphore, #tpu.memory_space<semaphore_mem>>) src(%dma_wait3A_536 : memref<1000000x64xf32, #tpu.memory_space<hbm>>) dst(%dma_wait3A_531 : memref<16x64xf32, #tpu.memory_space<vmem>>)
    %dma_wait3A_537 = arith.constant 48 : i32
    %dma_wait3A_538 = arith.constant 0 : i32
    %dma_wait3A_539 = tpu.memref_slice %arg18[%dma_wait3A_537, %dma_wait3A_538] : memref<128x64xf32, #tpu.memory_space<vmem>> -> memref<16x64xf32, #tpu.memory_space<vmem>>
    %dma_wait3A_540 = arith.constant 48 : i32
    %dma_wait3A_541 = tpu.memref_slice %arg12[%dma_wait3A_540] : memref<128xi32, #tpu.memory_space<vmem>> -> memref<16xi32, #tpu.memory_space<vmem>>
    %dma_wait3A_542 = arith.constant 0 : i32
    %dma_wait3A_543 = arith.constant 0 : i32
    %dma_wait3A_544 = tpu.memref_slice %arg8[%dma_wait3A_542, %dma_wait3A_543] : memref<1000000x64xf32, #tpu.memory_space<hbm>> -> memref<1000000x64xf32, #tpu.memory_space<hbm>>
    tpu.wait_indirect_dma semaphore(%arg23 : memref<!tpu.dma_semaphore, #tpu.memory_space<semaphore_mem>>) src(%dma_wait3A_544 : memref<1000000x64xf32, #tpu.memory_space<hbm>>) dst(%dma_wait3A_539 : memref<16x64xf32, #tpu.memory_space<vmem>>)
    %dma_wait3A_545 = arith.constant 48 : i32
    %dma_wait3A_546 = arith.constant 0 : i32
    %dma_wait3A_547 = tpu.memref_slice %arg19[%dma_wait3A_545, %dma_wait3A_546] : memref<128x64xf32, #tpu.memory_space<vmem>> -> memref<16x64xf32, #tpu.memory_space<vmem>>
    %dma_wait3A_548 = arith.constant 48 : i32
    %dma_wait3A_549 = tpu.memref_slice %arg13[%dma_wait3A_548] : memref<128xi32, #tpu.memory_space<vmem>> -> memref<16xi32, #tpu.memory_space<vmem>>
    %dma_wait3A_550 = arith.constant 0 : i32
    %dma_wait3A_551 = arith.constant 0 : i32
    %dma_wait3A_552 = tpu.memref_slice %arg8[%dma_wait3A_550, %dma_wait3A_551] : memref<1000000x64xf32, #tpu.memory_space<hbm>> -> memref<1000000x64xf32, #tpu.memory_space<hbm>>
    tpu.wait_indirect_dma semaphore(%arg23 : memref<!tpu.dma_semaphore, #tpu.memory_space<semaphore_mem>>) src(%dma_wait3A_552 : memref<1000000x64xf32, #tpu.memory_space<hbm>>) dst(%dma_wait3A_547 : memref<16x64xf32, #tpu.memory_space<vmem>>)
    %dma_wait3A_553 = arith.constant 48 : i32
    %dma_wait3A_554 = arith.constant 0 : i32
    %dma_wait3A_555 = tpu.memref_slice %arg20[%dma_wait3A_553, %dma_wait3A_554] : memref<128x64xf32, #tpu.memory_space<vmem>> -> memref<16x64xf32, #tpu.memory_space<vmem>>
    %dma_wait3A_556 = arith.constant 48 : i32
    %dma_wait3A_557 = tpu.memref_slice %arg14[%dma_wait3A_556] : memref<128xi32, #tpu.memory_space<vmem>> -> memref<16xi32, #tpu.memory_space<vmem>>
    %dma_wait3A_558 = arith.constant 0 : i32
    %dma_wait3A_559 = arith.constant 0 : i32
    %dma_wait3A_560 = tpu.memref_slice %arg8[%dma_wait3A_558, %dma_wait3A_559] : memref<1000000x64xf32, #tpu.memory_space<hbm>> -> memref<1000000x64xf32, #tpu.memory_space<hbm>>
    tpu.wait_indirect_dma semaphore(%arg23 : memref<!tpu.dma_semaphore, #tpu.memory_space<semaphore_mem>>) src(%dma_wait3A_560 : memref<1000000x64xf32, #tpu.memory_space<hbm>>) dst(%dma_wait3A_555 : memref<16x64xf32, #tpu.memory_space<vmem>>)
    %dma_wait3A_561 = arith.constant 48 : i32
    %dma_wait3A_562 = arith.constant 0 : i32
    %dma_wait3A_563 = tpu.memref_slice %arg21[%dma_wait3A_561, %dma_wait3A_562] : memref<128x64xf32, #tpu.memory_space<vmem>> -> memref<16x64xf32, #tpu.memory_space<vmem>>
    %dma_wait3A_564 = arith.constant 48 : i32
    %dma_wait3A_565 = tpu.memref_slice %arg15[%dma_wait3A_564] : memref<128xi32, #tpu.memory_space<vmem>> -> memref<16xi32, #tpu.memory_space<vmem>>
    %dma_wait3A_566 = arith.constant 0 : i32
    %dma_wait3A_567 = arith.constant 0 : i32
    %dma_wait3A_568 = tpu.memref_slice %arg9[%dma_wait3A_566, %dma_wait3A_567] : memref<1000x64xf32, #tpu.memory_space<hbm>> -> memref<1000x64xf32, #tpu.memory_space<hbm>>
    tpu.wait_indirect_dma semaphore(%arg23 : memref<!tpu.dma_semaphore, #tpu.memory_space<semaphore_mem>>) src(%dma_wait3A_568 : memref<1000x64xf32, #tpu.memory_space<hbm>>) dst(%dma_wait3A_563 : memref<16x64xf32, #tpu.memory_space<vmem>>)
    %dma_wait3A_569 = arith.constant 48 : i32
    %dma_wait3A_570 = arith.constant 0 : i32
    %dma_wait3A_571 = tpu.memref_slice %arg22[%dma_wait3A_569, %dma_wait3A_570] : memref<128x64xf32, #tpu.memory_space<vmem>> -> memref<16x64xf32, #tpu.memory_space<vmem>>
    %dma_wait3A_572 = arith.constant 48 : i32
    %dma_wait3A_573 = tpu.memref_slice %arg16[%dma_wait3A_572] : memref<128xi32, #tpu.memory_space<vmem>> -> memref<16xi32, #tpu.memory_space<vmem>>
    %dma_wait3A_574 = arith.constant 0 : i32
    %dma_wait3A_575 = arith.constant 0 : i32
    %dma_wait3A_576 = tpu.memref_slice %arg9[%dma_wait3A_574, %dma_wait3A_575] : memref<1000x64xf32, #tpu.memory_space<hbm>> -> memref<1000x64xf32, #tpu.memory_space<hbm>>
    tpu.wait_indirect_dma semaphore(%arg23 : memref<!tpu.dma_semaphore, #tpu.memory_space<semaphore_mem>>) src(%dma_wait3A_576 : memref<1000x64xf32, #tpu.memory_space<hbm>>) dst(%dma_wait3A_571 : memref<16x64xf32, #tpu.memory_space<vmem>>)
    %dma_wait3A_577 = arith.constant 64 : i32
    %dma_wait3A_578 = arith.constant 0 : i32
    %dma_wait3A_579 = tpu.memref_slice %arg17[%dma_wait3A_577, %dma_wait3A_578] : memref<128x64xf32, #tpu.memory_space<vmem>> -> memref<16x64xf32, #tpu.memory_space<vmem>>
    %dma_wait3A_580 = arith.constant 64 : i32
    %dma_wait3A_581 = tpu.memref_slice %arg11[%dma_wait3A_580] : memref<128xi32, #tpu.memory_space<vmem>> -> memref<16xi32, #tpu.memory_space<vmem>>
    %dma_wait3A_582 = arith.constant 0 : i32
    %dma_wait3A_583 = arith.constant 0 : i32
    %dma_wait3A_584 = tpu.memref_slice %arg8[%dma_wait3A_582, %dma_wait3A_583] : memref<1000000x64xf32, #tpu.memory_space<hbm>> -> memref<1000000x64xf32, #tpu.memory_space<hbm>>
    tpu.wait_indirect_dma semaphore(%arg23 : memref<!tpu.dma_semaphore, #tpu.memory_space<semaphore_mem>>) src(%dma_wait3A_584 : memref<1000000x64xf32, #tpu.memory_space<hbm>>) dst(%dma_wait3A_579 : memref<16x64xf32, #tpu.memory_space<vmem>>)
    %dma_wait3A_585 = arith.constant 64 : i32
    %dma_wait3A_586 = arith.constant 0 : i32
    %dma_wait3A_587 = tpu.memref_slice %arg18[%dma_wait3A_585, %dma_wait3A_586] : memref<128x64xf32, #tpu.memory_space<vmem>> -> memref<16x64xf32, #tpu.memory_space<vmem>>
    %dma_wait3A_588 = arith.constant 64 : i32
    %dma_wait3A_589 = tpu.memref_slice %arg12[%dma_wait3A_588] : memref<128xi32, #tpu.memory_space<vmem>> -> memref<16xi32, #tpu.memory_space<vmem>>
    %dma_wait3A_590 = arith.constant 0 : i32
    %dma_wait3A_591 = arith.constant 0 : i32
    %dma_wait3A_592 = tpu.memref_slice %arg8[%dma_wait3A_590, %dma_wait3A_591] : memref<1000000x64xf32, #tpu.memory_space<hbm>> -> memref<1000000x64xf32, #tpu.memory_space<hbm>>
    tpu.wait_indirect_dma semaphore(%arg23 : memref<!tpu.dma_semaphore, #tpu.memory_space<semaphore_mem>>) src(%dma_wait3A_592 : memref<1000000x64xf32, #tpu.memory_space<hbm>>) dst(%dma_wait3A_587 : memref<16x64xf32, #tpu.memory_space<vmem>>)
    %dma_wait3A_593 = arith.constant 64 : i32
    %dma_wait3A_594 = arith.constant 0 : i32
    %dma_wait3A_595 = tpu.memref_slice %arg19[%dma_wait3A_593, %dma_wait3A_594] : memref<128x64xf32, #tpu.memory_space<vmem>> -> memref<16x64xf32, #tpu.memory_space<vmem>>
    %dma_wait3A_596 = arith.constant 64 : i32
    %dma_wait3A_597 = tpu.memref_slice %arg13[%dma_wait3A_596] : memref<128xi32, #tpu.memory_space<vmem>> -> memref<16xi32, #tpu.memory_space<vmem>>
    %dma_wait3A_598 = arith.constant 0 : i32
    %dma_wait3A_599 = arith.constant 0 : i32
    %dma_wait3A_600 = tpu.memref_slice %arg8[%dma_wait3A_598, %dma_wait3A_599] : memref<1000000x64xf32, #tpu.memory_space<hbm>> -> memref<1000000x64xf32, #tpu.memory_space<hbm>>
    tpu.wait_indirect_dma semaphore(%arg23 : memref<!tpu.dma_semaphore, #tpu.memory_space<semaphore_mem>>) src(%dma_wait3A_600 : memref<1000000x64xf32, #tpu.memory_space<hbm>>) dst(%dma_wait3A_595 : memref<16x64xf32, #tpu.memory_space<vmem>>)
    %dma_wait3A_601 = arith.constant 64 : i32
    %dma_wait3A_602 = arith.constant 0 : i32
    %dma_wait3A_603 = tpu.memref_slice %arg20[%dma_wait3A_601, %dma_wait3A_602] : memref<128x64xf32, #tpu.memory_space<vmem>> -> memref<16x64xf32, #tpu.memory_space<vmem>>
    %dma_wait3A_604 = arith.constant 64 : i32
    %dma_wait3A_605 = tpu.memref_slice %arg14[%dma_wait3A_604] : memref<128xi32, #tpu.memory_space<vmem>> -> memref<16xi32, #tpu.memory_space<vmem>>
    %dma_wait3A_606 = arith.constant 0 : i32
    %dma_wait3A_607 = arith.constant 0 : i32
    %dma_wait3A_608 = tpu.memref_slice %arg8[%dma_wait3A_606, %dma_wait3A_607] : memref<1000000x64xf32, #tpu.memory_space<hbm>> -> memref<1000000x64xf32, #tpu.memory_space<hbm>>
    tpu.wait_indirect_dma semaphore(%arg23 : memref<!tpu.dma_semaphore, #tpu.memory_space<semaphore_mem>>) src(%dma_wait3A_608 : memref<1000000x64xf32, #tpu.memory_space<hbm>>) dst(%dma_wait3A_603 : memref<16x64xf32, #tpu.memory_space<vmem>>)
    %dma_wait3A_609 = arith.constant 64 : i32
    %dma_wait3A_610 = arith.constant 0 : i32
    %dma_wait3A_611 = tpu.memref_slice %arg21[%dma_wait3A_609, %dma_wait3A_610] : memref<128x64xf32, #tpu.memory_space<vmem>> -> memref<16x64xf32, #tpu.memory_space<vmem>>
    %dma_wait3A_612 = arith.constant 64 : i32
    %dma_wait3A_613 = tpu.memref_slice %arg15[%dma_wait3A_612] : memref<128xi32, #tpu.memory_space<vmem>> -> memref<16xi32, #tpu.memory_space<vmem>>
    %dma_wait3A_614 = arith.constant 0 : i32
    %dma_wait3A_615 = arith.constant 0 : i32
    %dma_wait3A_616 = tpu.memref_slice %arg9[%dma_wait3A_614, %dma_wait3A_615] : memref<1000x64xf32, #tpu.memory_space<hbm>> -> memref<1000x64xf32, #tpu.memory_space<hbm>>
    tpu.wait_indirect_dma semaphore(%arg23 : memref<!tpu.dma_semaphore, #tpu.memory_space<semaphore_mem>>) src(%dma_wait3A_616 : memref<1000x64xf32, #tpu.memory_space<hbm>>) dst(%dma_wait3A_611 : memref<16x64xf32, #tpu.memory_space<vmem>>)
    %dma_wait3A_617 = arith.constant 64 : i32
    %dma_wait3A_618 = arith.constant 0 : i32
    %dma_wait3A_619 = tpu.memref_slice %arg22[%dma_wait3A_617, %dma_wait3A_618] : memref<128x64xf32, #tpu.memory_space<vmem>> -> memref<16x64xf32, #tpu.memory_space<vmem>>
    %dma_wait3A_620 = arith.constant 64 : i32
    %dma_wait3A_621 = tpu.memref_slice %arg16[%dma_wait3A_620] : memref<128xi32, #tpu.memory_space<vmem>> -> memref<16xi32, #tpu.memory_space<vmem>>
    %dma_wait3A_622 = arith.constant 0 : i32
    %dma_wait3A_623 = arith.constant 0 : i32
    %dma_wait3A_624 = tpu.memref_slice %arg9[%dma_wait3A_622, %dma_wait3A_623] : memref<1000x64xf32, #tpu.memory_space<hbm>> -> memref<1000x64xf32, #tpu.memory_space<hbm>>
    tpu.wait_indirect_dma semaphore(%arg23 : memref<!tpu.dma_semaphore, #tpu.memory_space<semaphore_mem>>) src(%dma_wait3A_624 : memref<1000x64xf32, #tpu.memory_space<hbm>>) dst(%dma_wait3A_619 : memref<16x64xf32, #tpu.memory_space<vmem>>)
    %dma_wait3A_625 = arith.constant 80 : i32
    %dma_wait3A_626 = arith.constant 0 : i32
    %dma_wait3A_627 = tpu.memref_slice %arg17[%dma_wait3A_625, %dma_wait3A_626] : memref<128x64xf32, #tpu.memory_space<vmem>> -> memref<16x64xf32, #tpu.memory_space<vmem>>
    %dma_wait3A_628 = arith.constant 80 : i32
    %dma_wait3A_629 = tpu.memref_slice %arg11[%dma_wait3A_628] : memref<128xi32, #tpu.memory_space<vmem>> -> memref<16xi32, #tpu.memory_space<vmem>>
    %dma_wait3A_630 = arith.constant 0 : i32
    %dma_wait3A_631 = arith.constant 0 : i32
    %dma_wait3A_632 = tpu.memref_slice %arg8[%dma_wait3A_630, %dma_wait3A_631] : memref<1000000x64xf32, #tpu.memory_space<hbm>> -> memref<1000000x64xf32, #tpu.memory_space<hbm>>
    tpu.wait_indirect_dma semaphore(%arg23 : memref<!tpu.dma_semaphore, #tpu.memory_space<semaphore_mem>>) src(%dma_wait3A_632 : memref<1000000x64xf32, #tpu.memory_space<hbm>>) dst(%dma_wait3A_627 : memref<16x64xf32, #tpu.memory_space<vmem>>)
    %dma_wait3A_633 = arith.constant 80 : i32
    %dma_wait3A_634 = arith.constant 0 : i32
    %dma_wait3A_635 = tpu.memref_slice %arg18[%dma_wait3A_633, %dma_wait3A_634] : memref<128x64xf32, #tpu.memory_space<vmem>> -> memref<16x64xf32, #tpu.memory_space<vmem>>
    %dma_wait3A_636 = arith.constant 80 : i32
    %dma_wait3A_637 = tpu.memref_slice %arg12[%dma_wait3A_636] : memref<128xi32, #tpu.memory_space<vmem>> -> memref<16xi32, #tpu.memory_space<vmem>>
    %dma_wait3A_638 = arith.constant 0 : i32
    %dma_wait3A_639 = arith.constant 0 : i32
    %dma_wait3A_640 = tpu.memref_slice %arg8[%dma_wait3A_638, %dma_wait3A_639] : memref<1000000x64xf32, #tpu.memory_space<hbm>> -> memref<1000000x64xf32, #tpu.memory_space<hbm>>
    tpu.wait_indirect_dma semaphore(%arg23 : memref<!tpu.dma_semaphore, #tpu.memory_space<semaphore_mem>>) src(%dma_wait3A_640 : memref<1000000x64xf32, #tpu.memory_space<hbm>>) dst(%dma_wait3A_635 : memref<16x64xf32, #tpu.memory_space<vmem>>)
    %dma_wait3A_641 = arith.constant 80 : i32
    %dma_wait3A_642 = arith.constant 0 : i32
    %dma_wait3A_643 = tpu.memref_slice %arg19[%dma_wait3A_641, %dma_wait3A_642] : memref<128x64xf32, #tpu.memory_space<vmem>> -> memref<16x64xf32, #tpu.memory_space<vmem>>
    %dma_wait3A_644 = arith.constant 80 : i32
    %dma_wait3A_645 = tpu.memref_slice %arg13[%dma_wait3A_644] : memref<128xi32, #tpu.memory_space<vmem>> -> memref<16xi32, #tpu.memory_space<vmem>>
    %dma_wait3A_646 = arith.constant 0 : i32
    %dma_wait3A_647 = arith.constant 0 : i32
    %dma_wait3A_648 = tpu.memref_slice %arg8[%dma_wait3A_646, %dma_wait3A_647] : memref<1000000x64xf32, #tpu.memory_space<hbm>> -> memref<1000000x64xf32, #tpu.memory_space<hbm>>
    tpu.wait_indirect_dma semaphore(%arg23 : memref<!tpu.dma_semaphore, #tpu.memory_space<semaphore_mem>>) src(%dma_wait3A_648 : memref<1000000x64xf32, #tpu.memory_space<hbm>>) dst(%dma_wait3A_643 : memref<16x64xf32, #tpu.memory_space<vmem>>)
    %dma_wait3A_649 = arith.constant 80 : i32
    %dma_wait3A_650 = arith.constant 0 : i32
    %dma_wait3A_651 = tpu.memref_slice %arg20[%dma_wait3A_649, %dma_wait3A_650] : memref<128x64xf32, #tpu.memory_space<vmem>> -> memref<16x64xf32, #tpu.memory_space<vmem>>
    %dma_wait3A_652 = arith.constant 80 : i32
    %dma_wait3A_653 = tpu.memref_slice %arg14[%dma_wait3A_652] : memref<128xi32, #tpu.memory_space<vmem>> -> memref<16xi32, #tpu.memory_space<vmem>>
    %dma_wait3A_654 = arith.constant 0 : i32
    %dma_wait3A_655 = arith.constant 0 : i32
    %dma_wait3A_656 = tpu.memref_slice %arg8[%dma_wait3A_654, %dma_wait3A_655] : memref<1000000x64xf32, #tpu.memory_space<hbm>> -> memref<1000000x64xf32, #tpu.memory_space<hbm>>
    tpu.wait_indirect_dma semaphore(%arg23 : memref<!tpu.dma_semaphore, #tpu.memory_space<semaphore_mem>>) src(%dma_wait3A_656 : memref<1000000x64xf32, #tpu.memory_space<hbm>>) dst(%dma_wait3A_651 : memref<16x64xf32, #tpu.memory_space<vmem>>)
    %dma_wait3A_657 = arith.constant 80 : i32
    %dma_wait3A_658 = arith.constant 0 : i32
    %dma_wait3A_659 = tpu.memref_slice %arg21[%dma_wait3A_657, %dma_wait3A_658] : memref<128x64xf32, #tpu.memory_space<vmem>> -> memref<16x64xf32, #tpu.memory_space<vmem>>
    %dma_wait3A_660 = arith.constant 80 : i32
    %dma_wait3A_661 = tpu.memref_slice %arg15[%dma_wait3A_660] : memref<128xi32, #tpu.memory_space<vmem>> -> memref<16xi32, #tpu.memory_space<vmem>>
    %dma_wait3A_662 = arith.constant 0 : i32
    %dma_wait3A_663 = arith.constant 0 : i32
    %dma_wait3A_664 = tpu.memref_slice %arg9[%dma_wait3A_662, %dma_wait3A_663] : memref<1000x64xf32, #tpu.memory_space<hbm>> -> memref<1000x64xf32, #tpu.memory_space<hbm>>
    tpu.wait_indirect_dma semaphore(%arg23 : memref<!tpu.dma_semaphore, #tpu.memory_space<semaphore_mem>>) src(%dma_wait3A_664 : memref<1000x64xf32, #tpu.memory_space<hbm>>) dst(%dma_wait3A_659 : memref<16x64xf32, #tpu.memory_space<vmem>>)
    %dma_wait3A_665 = arith.constant 80 : i32
    %dma_wait3A_666 = arith.constant 0 : i32
    %dma_wait3A_667 = tpu.memref_slice %arg22[%dma_wait3A_665, %dma_wait3A_666] : memref<128x64xf32, #tpu.memory_space<vmem>> -> memref<16x64xf32, #tpu.memory_space<vmem>>
    %dma_wait3A_668 = arith.constant 80 : i32
    %dma_wait3A_669 = tpu.memref_slice %arg16[%dma_wait3A_668] : memref<128xi32, #tpu.memory_space<vmem>> -> memref<16xi32, #tpu.memory_space<vmem>>
    %dma_wait3A_670 = arith.constant 0 : i32
    %dma_wait3A_671 = arith.constant 0 : i32
    %dma_wait3A_672 = tpu.memref_slice %arg9[%dma_wait3A_670, %dma_wait3A_671] : memref<1000x64xf32, #tpu.memory_space<hbm>> -> memref<1000x64xf32, #tpu.memory_space<hbm>>
    tpu.wait_indirect_dma semaphore(%arg23 : memref<!tpu.dma_semaphore, #tpu.memory_space<semaphore_mem>>) src(%dma_wait3A_672 : memref<1000x64xf32, #tpu.memory_space<hbm>>) dst(%dma_wait3A_667 : memref<16x64xf32, #tpu.memory_space<vmem>>)
    %dma_wait3A_673 = arith.constant 96 : i32
    %dma_wait3A_674 = arith.constant 0 : i32
    %dma_wait3A_675 = tpu.memref_slice %arg17[%dma_wait3A_673, %dma_wait3A_674] : memref<128x64xf32, #tpu.memory_space<vmem>> -> memref<16x64xf32, #tpu.memory_space<vmem>>
    %dma_wait3A_676 = arith.constant 96 : i32
    %dma_wait3A_677 = tpu.memref_slice %arg11[%dma_wait3A_676] : memref<128xi32, #tpu.memory_space<vmem>> -> memref<16xi32, #tpu.memory_space<vmem>>
    %dma_wait3A_678 = arith.constant 0 : i32
    %dma_wait3A_679 = arith.constant 0 : i32
    %dma_wait3A_680 = tpu.memref_slice %arg8[%dma_wait3A_678, %dma_wait3A_679] : memref<1000000x64xf32, #tpu.memory_space<hbm>> -> memref<1000000x64xf32, #tpu.memory_space<hbm>>
    tpu.wait_indirect_dma semaphore(%arg23 : memref<!tpu.dma_semaphore, #tpu.memory_space<semaphore_mem>>) src(%dma_wait3A_680 : memref<1000000x64xf32, #tpu.memory_space<hbm>>) dst(%dma_wait3A_675 : memref<16x64xf32, #tpu.memory_space<vmem>>)
    %dma_wait3A_681 = arith.constant 96 : i32
    %dma_wait3A_682 = arith.constant 0 : i32
    %dma_wait3A_683 = tpu.memref_slice %arg18[%dma_wait3A_681, %dma_wait3A_682] : memref<128x64xf32, #tpu.memory_space<vmem>> -> memref<16x64xf32, #tpu.memory_space<vmem>>
    %dma_wait3A_684 = arith.constant 96 : i32
    %dma_wait3A_685 = tpu.memref_slice %arg12[%dma_wait3A_684] : memref<128xi32, #tpu.memory_space<vmem>> -> memref<16xi32, #tpu.memory_space<vmem>>
    %dma_wait3A_686 = arith.constant 0 : i32
    %dma_wait3A_687 = arith.constant 0 : i32
    %dma_wait3A_688 = tpu.memref_slice %arg8[%dma_wait3A_686, %dma_wait3A_687] : memref<1000000x64xf32, #tpu.memory_space<hbm>> -> memref<1000000x64xf32, #tpu.memory_space<hbm>>
    tpu.wait_indirect_dma semaphore(%arg23 : memref<!tpu.dma_semaphore, #tpu.memory_space<semaphore_mem>>) src(%dma_wait3A_688 : memref<1000000x64xf32, #tpu.memory_space<hbm>>) dst(%dma_wait3A_683 : memref<16x64xf32, #tpu.memory_space<vmem>>)
    %dma_wait3A_689 = arith.constant 96 : i32
    %dma_wait3A_690 = arith.constant 0 : i32
    %dma_wait3A_691 = tpu.memref_slice %arg19[%dma_wait3A_689, %dma_wait3A_690] : memref<128x64xf32, #tpu.memory_space<vmem>> -> memref<16x64xf32, #tpu.memory_space<vmem>>
    %dma_wait3A_692 = arith.constant 96 : i32
    %dma_wait3A_693 = tpu.memref_slice %arg13[%dma_wait3A_692] : memref<128xi32, #tpu.memory_space<vmem>> -> memref<16xi32, #tpu.memory_space<vmem>>
    %dma_wait3A_694 = arith.constant 0 : i32
    %dma_wait3A_695 = arith.constant 0 : i32
    %dma_wait3A_696 = tpu.memref_slice %arg8[%dma_wait3A_694, %dma_wait3A_695] : memref<1000000x64xf32, #tpu.memory_space<hbm>> -> memref<1000000x64xf32, #tpu.memory_space<hbm>>
    tpu.wait_indirect_dma semaphore(%arg23 : memref<!tpu.dma_semaphore, #tpu.memory_space<semaphore_mem>>) src(%dma_wait3A_696 : memref<1000000x64xf32, #tpu.memory_space<hbm>>) dst(%dma_wait3A_691 : memref<16x64xf32, #tpu.memory_space<vmem>>)
    %dma_wait3A_697 = arith.constant 96 : i32
    %dma_wait3A_698 = arith.constant 0 : i32
    %dma_wait3A_699 = tpu.memref_slice %arg20[%dma_wait3A_697, %dma_wait3A_698] : memref<128x64xf32, #tpu.memory_space<vmem>> -> memref<16x64xf32, #tpu.memory_space<vmem>>
    %dma_wait3A_700 = arith.constant 96 : i32
    %dma_wait3A_701 = tpu.memref_slice %arg14[%dma_wait3A_700] : memref<128xi32, #tpu.memory_space<vmem>> -> memref<16xi32, #tpu.memory_space<vmem>>
    %dma_wait3A_702 = arith.constant 0 : i32
    %dma_wait3A_703 = arith.constant 0 : i32
    %dma_wait3A_704 = tpu.memref_slice %arg8[%dma_wait3A_702, %dma_wait3A_703] : memref<1000000x64xf32, #tpu.memory_space<hbm>> -> memref<1000000x64xf32, #tpu.memory_space<hbm>>
    tpu.wait_indirect_dma semaphore(%arg23 : memref<!tpu.dma_semaphore, #tpu.memory_space<semaphore_mem>>) src(%dma_wait3A_704 : memref<1000000x64xf32, #tpu.memory_space<hbm>>) dst(%dma_wait3A_699 : memref<16x64xf32, #tpu.memory_space<vmem>>)
    %dma_wait3A_705 = arith.constant 96 : i32
    %dma_wait3A_706 = arith.constant 0 : i32
    %dma_wait3A_707 = tpu.memref_slice %arg21[%dma_wait3A_705, %dma_wait3A_706] : memref<128x64xf32, #tpu.memory_space<vmem>> -> memref<16x64xf32, #tpu.memory_space<vmem>>
    %dma_wait3A_708 = arith.constant 96 : i32
    %dma_wait3A_709 = tpu.memref_slice %arg15[%dma_wait3A_708] : memref<128xi32, #tpu.memory_space<vmem>> -> memref<16xi32, #tpu.memory_space<vmem>>
    %dma_wait3A_710 = arith.constant 0 : i32
    %dma_wait3A_711 = arith.constant 0 : i32
    %dma_wait3A_712 = tpu.memref_slice %arg9[%dma_wait3A_710, %dma_wait3A_711] : memref<1000x64xf32, #tpu.memory_space<hbm>> -> memref<1000x64xf32, #tpu.memory_space<hbm>>
    tpu.wait_indirect_dma semaphore(%arg23 : memref<!tpu.dma_semaphore, #tpu.memory_space<semaphore_mem>>) src(%dma_wait3A_712 : memref<1000x64xf32, #tpu.memory_space<hbm>>) dst(%dma_wait3A_707 : memref<16x64xf32, #tpu.memory_space<vmem>>)
    %dma_wait3A_713 = arith.constant 96 : i32
    %dma_wait3A_714 = arith.constant 0 : i32
    %dma_wait3A_715 = tpu.memref_slice %arg22[%dma_wait3A_713, %dma_wait3A_714] : memref<128x64xf32, #tpu.memory_space<vmem>> -> memref<16x64xf32, #tpu.memory_space<vmem>>
    %dma_wait3A_716 = arith.constant 96 : i32
    %dma_wait3A_717 = tpu.memref_slice %arg16[%dma_wait3A_716] : memref<128xi32, #tpu.memory_space<vmem>> -> memref<16xi32, #tpu.memory_space<vmem>>
    %dma_wait3A_718 = arith.constant 0 : i32
    %dma_wait3A_719 = arith.constant 0 : i32
    %dma_wait3A_720 = tpu.memref_slice %arg9[%dma_wait3A_718, %dma_wait3A_719] : memref<1000x64xf32, #tpu.memory_space<hbm>> -> memref<1000x64xf32, #tpu.memory_space<hbm>>
    tpu.wait_indirect_dma semaphore(%arg23 : memref<!tpu.dma_semaphore, #tpu.memory_space<semaphore_mem>>) src(%dma_wait3A_720 : memref<1000x64xf32, #tpu.memory_space<hbm>>) dst(%dma_wait3A_715 : memref<16x64xf32, #tpu.memory_space<vmem>>)
    %dma_wait3A_721 = arith.constant 112 : i32
    %dma_wait3A_722 = arith.constant 0 : i32
    %dma_wait3A_723 = tpu.memref_slice %arg17[%dma_wait3A_721, %dma_wait3A_722] : memref<128x64xf32, #tpu.memory_space<vmem>> -> memref<16x64xf32, #tpu.memory_space<vmem>>
    %dma_wait3A_724 = arith.constant 112 : i32
    %dma_wait3A_725 = tpu.memref_slice %arg11[%dma_wait3A_724] : memref<128xi32, #tpu.memory_space<vmem>> -> memref<16xi32, #tpu.memory_space<vmem>>
    %dma_wait3A_726 = arith.constant 0 : i32
    %dma_wait3A_727 = arith.constant 0 : i32
    %dma_wait3A_728 = tpu.memref_slice %arg8[%dma_wait3A_726, %dma_wait3A_727] : memref<1000000x64xf32, #tpu.memory_space<hbm>> -> memref<1000000x64xf32, #tpu.memory_space<hbm>>
    tpu.wait_indirect_dma semaphore(%arg23 : memref<!tpu.dma_semaphore, #tpu.memory_space<semaphore_mem>>) src(%dma_wait3A_728 : memref<1000000x64xf32, #tpu.memory_space<hbm>>) dst(%dma_wait3A_723 : memref<16x64xf32, #tpu.memory_space<vmem>>)
    %dma_wait3A_729 = arith.constant 112 : i32
    %dma_wait3A_730 = arith.constant 0 : i32
    %dma_wait3A_731 = tpu.memref_slice %arg18[%dma_wait3A_729, %dma_wait3A_730] : memref<128x64xf32, #tpu.memory_space<vmem>> -> memref<16x64xf32, #tpu.memory_space<vmem>>
    %dma_wait3A_732 = arith.constant 112 : i32
    %dma_wait3A_733 = tpu.memref_slice %arg12[%dma_wait3A_732] : memref<128xi32, #tpu.memory_space<vmem>> -> memref<16xi32, #tpu.memory_space<vmem>>
    %dma_wait3A_734 = arith.constant 0 : i32
    %dma_wait3A_735 = arith.constant 0 : i32
    %dma_wait3A_736 = tpu.memref_slice %arg8[%dma_wait3A_734, %dma_wait3A_735] : memref<1000000x64xf32, #tpu.memory_space<hbm>> -> memref<1000000x64xf32, #tpu.memory_space<hbm>>
    tpu.wait_indirect_dma semaphore(%arg23 : memref<!tpu.dma_semaphore, #tpu.memory_space<semaphore_mem>>) src(%dma_wait3A_736 : memref<1000000x64xf32, #tpu.memory_space<hbm>>) dst(%dma_wait3A_731 : memref<16x64xf32, #tpu.memory_space<vmem>>)
    %dma_wait3A_737 = arith.constant 112 : i32
    %dma_wait3A_738 = arith.constant 0 : i32
    %dma_wait3A_739 = tpu.memref_slice %arg19[%dma_wait3A_737, %dma_wait3A_738] : memref<128x64xf32, #tpu.memory_space<vmem>> -> memref<16x64xf32, #tpu.memory_space<vmem>>
    %dma_wait3A_740 = arith.constant 112 : i32
    %dma_wait3A_741 = tpu.memref_slice %arg13[%dma_wait3A_740] : memref<128xi32, #tpu.memory_space<vmem>> -> memref<16xi32, #tpu.memory_space<vmem>>
    %dma_wait3A_742 = arith.constant 0 : i32
    %dma_wait3A_743 = arith.constant 0 : i32
    %dma_wait3A_744 = tpu.memref_slice %arg8[%dma_wait3A_742, %dma_wait3A_743] : memref<1000000x64xf32, #tpu.memory_space<hbm>> -> memref<1000000x64xf32, #tpu.memory_space<hbm>>
    tpu.wait_indirect_dma semaphore(%arg23 : memref<!tpu.dma_semaphore, #tpu.memory_space<semaphore_mem>>) src(%dma_wait3A_744 : memref<1000000x64xf32, #tpu.memory_space<hbm>>) dst(%dma_wait3A_739 : memref<16x64xf32, #tpu.memory_space<vmem>>)
    %dma_wait3A_745 = arith.constant 112 : i32
    %dma_wait3A_746 = arith.constant 0 : i32
    %dma_wait3A_747 = tpu.memref_slice %arg20[%dma_wait3A_745, %dma_wait3A_746] : memref<128x64xf32, #tpu.memory_space<vmem>> -> memref<16x64xf32, #tpu.memory_space<vmem>>
    %dma_wait3A_748 = arith.constant 112 : i32
    %dma_wait3A_749 = tpu.memref_slice %arg14[%dma_wait3A_748] : memref<128xi32, #tpu.memory_space<vmem>> -> memref<16xi32, #tpu.memory_space<vmem>>
    %dma_wait3A_750 = arith.constant 0 : i32
    %dma_wait3A_751 = arith.constant 0 : i32
    %dma_wait3A_752 = tpu.memref_slice %arg8[%dma_wait3A_750, %dma_wait3A_751] : memref<1000000x64xf32, #tpu.memory_space<hbm>> -> memref<1000000x64xf32, #tpu.memory_space<hbm>>
    tpu.wait_indirect_dma semaphore(%arg23 : memref<!tpu.dma_semaphore, #tpu.memory_space<semaphore_mem>>) src(%dma_wait3A_752 : memref<1000000x64xf32, #tpu.memory_space<hbm>>) dst(%dma_wait3A_747 : memref<16x64xf32, #tpu.memory_space<vmem>>)
    %dma_wait3A_753 = arith.constant 112 : i32
    %dma_wait3A_754 = arith.constant 0 : i32
    %dma_wait3A_755 = tpu.memref_slice %arg21[%dma_wait3A_753, %dma_wait3A_754] : memref<128x64xf32, #tpu.memory_space<vmem>> -> memref<16x64xf32, #tpu.memory_space<vmem>>
    %dma_wait3A_756 = arith.constant 112 : i32
    %dma_wait3A_757 = tpu.memref_slice %arg15[%dma_wait3A_756] : memref<128xi32, #tpu.memory_space<vmem>> -> memref<16xi32, #tpu.memory_space<vmem>>
    %dma_wait3A_758 = arith.constant 0 : i32
    %dma_wait3A_759 = arith.constant 0 : i32
    %dma_wait3A_760 = tpu.memref_slice %arg9[%dma_wait3A_758, %dma_wait3A_759] : memref<1000x64xf32, #tpu.memory_space<hbm>> -> memref<1000x64xf32, #tpu.memory_space<hbm>>
    tpu.wait_indirect_dma semaphore(%arg23 : memref<!tpu.dma_semaphore, #tpu.memory_space<semaphore_mem>>) src(%dma_wait3A_760 : memref<1000x64xf32, #tpu.memory_space<hbm>>) dst(%dma_wait3A_755 : memref<16x64xf32, #tpu.memory_space<vmem>>)
    %dma_wait3A_761 = arith.constant 112 : i32
    %dma_wait3A_762 = arith.constant 0 : i32
    %dma_wait3A_763 = tpu.memref_slice %arg22[%dma_wait3A_761, %dma_wait3A_762] : memref<128x64xf32, #tpu.memory_space<vmem>> -> memref<16x64xf32, #tpu.memory_space<vmem>>
    %dma_wait3A_764 = arith.constant 112 : i32
    %dma_wait3A_765 = tpu.memref_slice %arg16[%dma_wait3A_764] : memref<128xi32, #tpu.memory_space<vmem>> -> memref<16xi32, #tpu.memory_space<vmem>>
    %dma_wait3A_766 = arith.constant 0 : i32
    %dma_wait3A_767 = arith.constant 0 : i32
    %dma_wait3A_768 = tpu.memref_slice %arg9[%dma_wait3A_766, %dma_wait3A_767] : memref<1000x64xf32, #tpu.memory_space<hbm>> -> memref<1000x64xf32, #tpu.memory_space<hbm>>
    tpu.wait_indirect_dma semaphore(%arg23 : memref<!tpu.dma_semaphore, #tpu.memory_space<semaphore_mem>>) src(%dma_wait3A_768 : memref<1000x64xf32, #tpu.memory_space<hbm>>) dst(%dma_wait3A_763 : memref<16x64xf32, #tpu.memory_space<vmem>>)
    %run_scoped3A = arith.constant 0 : i32
    "tpu.region"() ({
      %run_scoped3A_774 = tpu.sem_alloc : memref<!tpu.dma_semaphore, #tpu.memory_space<semaphore_mem>>
      %dma_start3A_775 = arith.constant 0 : i32
      %dma_start3A_776 = tpu.memref_slice %arg10[%run_scoped3A, %mul3A_2, %dma_start3A_775] : memref<6x4096x64xf32, #tpu.memory_space<hbm>> -> memref<1x128x64xf32, #tpu.memory_space<hbm>>
      %dma_start3A_777 = tpu.memref_squeeze %dma_start3A_776 : memref<1x128x64xf32, #tpu.memory_space<hbm>> -> memref<128x64xf32, #tpu.memory_space<hbm>>
      %dma_start3A_778 = arith.constant 0 : i32
      %dma_start3A_779 = tpu.memref_slice %arg10[%run_scoped3A, %mul3A_2, %dma_start3A_778] : memref<6x4096x64xf32, #tpu.memory_space<hbm>> -> memref<1x128x64xf32, #tpu.memory_space<hbm>>
      %dma_start3A_780 = tpu.memref_squeeze %dma_start3A_779 : memref<1x128x64xf32, #tpu.memory_space<hbm>> -> memref<128x64xf32, #tpu.memory_space<hbm>>
      tpu.enqueue_dma source(%arg17 : memref<128x64xf32, #tpu.memory_space<vmem>>) target(%dma_start3A_780 : memref<128x64xf32, #tpu.memory_space<hbm>>) target_semaphore(%run_scoped3A_774 : memref<!tpu.dma_semaphore, #tpu.memory_space<semaphore_mem>>)
      %dma_wait3A_781 = arith.constant 0 : i32
      %dma_wait3A_782 = tpu.memref_slice %arg10[%run_scoped3A, %mul3A_2, %dma_wait3A_781] : memref<6x4096x64xf32, #tpu.memory_space<hbm>> -> memref<1x128x64xf32, #tpu.memory_space<hbm>>
      %dma_wait3A_783 = tpu.memref_squeeze %dma_wait3A_782 : memref<1x128x64xf32, #tpu.memory_space<hbm>> -> memref<128x64xf32, #tpu.memory_space<hbm>>
      %dma_wait3A_784 = arith.constant 0 : i32
      %dma_wait3A_785 = tpu.memref_slice %arg10[%run_scoped3A, %mul3A_2, %dma_wait3A_784] : memref<6x4096x64xf32, #tpu.memory_space<hbm>> -> memref<1x128x64xf32, #tpu.memory_space<hbm>>
      %dma_wait3A_786 = tpu.memref_squeeze %dma_wait3A_785 : memref<1x128x64xf32, #tpu.memory_space<hbm>> -> memref<128x64xf32, #tpu.memory_space<hbm>>
      tpu.wait_dma2 semaphore(%run_scoped3A_774 : memref<!tpu.dma_semaphore, #tpu.memory_space<semaphore_mem>>) src(%arg17 : memref<128x64xf32, #tpu.memory_space<vmem>>) dst(%dma_wait3A_786 : memref<128x64xf32, #tpu.memory_space<hbm>>)
      tpu.yield
    }) : () -> ()
    %run_scoped3A_769 = arith.constant 1 : i32
    "tpu.region"() ({
      %run_scoped3A_774 = tpu.sem_alloc : memref<!tpu.dma_semaphore, #tpu.memory_space<semaphore_mem>>
      %dma_start3A_775 = arith.constant 0 : i32
      %dma_start3A_776 = tpu.memref_slice %arg10[%run_scoped3A_769, %mul3A_2, %dma_start3A_775] : memref<6x4096x64xf32, #tpu.memory_space<hbm>> -> memref<1x128x64xf32, #tpu.memory_space<hbm>>
      %dma_start3A_777 = tpu.memref_squeeze %dma_start3A_776 : memref<1x128x64xf32, #tpu.memory_space<hbm>> -> memref<128x64xf32, #tpu.memory_space<hbm>>
      %dma_start3A_778 = arith.constant 0 : i32
      %dma_start3A_779 = tpu.memref_slice %arg10[%run_scoped3A_769, %mul3A_2, %dma_start3A_778] : memref<6x4096x64xf32, #tpu.memory_space<hbm>> -> memref<1x128x64xf32, #tpu.memory_space<hbm>>
      %dma_start3A_780 = tpu.memref_squeeze %dma_start3A_779 : memref<1x128x64xf32, #tpu.memory_space<hbm>> -> memref<128x64xf32, #tpu.memory_space<hbm>>
      tpu.enqueue_dma source(%arg18 : memref<128x64xf32, #tpu.memory_space<vmem>>) target(%dma_start3A_780 : memref<128x64xf32, #tpu.memory_space<hbm>>) target_semaphore(%run_scoped3A_774 : memref<!tpu.dma_semaphore, #tpu.memory_space<semaphore_mem>>)
      %dma_wait3A_781 = arith.constant 0 : i32
      %dma_wait3A_782 = tpu.memref_slice %arg10[%run_scoped3A_769, %mul3A_2, %dma_wait3A_781] : memref<6x4096x64xf32, #tpu.memory_space<hbm>> -> memref<1x128x64xf32, #tpu.memory_space<hbm>>
      %dma_wait3A_783 = tpu.memref_squeeze %dma_wait3A_782 : memref<1x128x64xf32, #tpu.memory_space<hbm>> -> memref<128x64xf32, #tpu.memory_space<hbm>>
      %dma_wait3A_784 = arith.constant 0 : i32
      %dma_wait3A_785 = tpu.memref_slice %arg10[%run_scoped3A_769, %mul3A_2, %dma_wait3A_784] : memref<6x4096x64xf32, #tpu.memory_space<hbm>> -> memref<1x128x64xf32, #tpu.memory_space<hbm>>
      %dma_wait3A_786 = tpu.memref_squeeze %dma_wait3A_785 : memref<1x128x64xf32, #tpu.memory_space<hbm>> -> memref<128x64xf32, #tpu.memory_space<hbm>>
      tpu.wait_dma2 semaphore(%run_scoped3A_774 : memref<!tpu.dma_semaphore, #tpu.memory_space<semaphore_mem>>) src(%arg18 : memref<128x64xf32, #tpu.memory_space<vmem>>) dst(%dma_wait3A_786 : memref<128x64xf32, #tpu.memory_space<hbm>>)
      tpu.yield
    }) : () -> ()
    %run_scoped3A_770 = arith.constant 2 : i32
    "tpu.region"() ({
      %run_scoped3A_774 = tpu.sem_alloc : memref<!tpu.dma_semaphore, #tpu.memory_space<semaphore_mem>>
      %dma_start3A_775 = arith.constant 0 : i32
      %dma_start3A_776 = tpu.memref_slice %arg10[%run_scoped3A_770, %mul3A_2, %dma_start3A_775] : memref<6x4096x64xf32, #tpu.memory_space<hbm>> -> memref<1x128x64xf32, #tpu.memory_space<hbm>>
      %dma_start3A_777 = tpu.memref_squeeze %dma_start3A_776 : memref<1x128x64xf32, #tpu.memory_space<hbm>> -> memref<128x64xf32, #tpu.memory_space<hbm>>
      %dma_start3A_778 = arith.constant 0 : i32
      %dma_start3A_779 = tpu.memref_slice %arg10[%run_scoped3A_770, %mul3A_2, %dma_start3A_778] : memref<6x4096x64xf32, #tpu.memory_space<hbm>> -> memref<1x128x64xf32, #tpu.memory_space<hbm>>
      %dma_start3A_780 = tpu.memref_squeeze %dma_start3A_779 : memref<1x128x64xf32, #tpu.memory_space<hbm>> -> memref<128x64xf32, #tpu.memory_space<hbm>>
      tpu.enqueue_dma source(%arg19 : memref<128x64xf32, #tpu.memory_space<vmem>>) target(%dma_start3A_780 : memref<128x64xf32, #tpu.memory_space<hbm>>) target_semaphore(%run_scoped3A_774 : memref<!tpu.dma_semaphore, #tpu.memory_space<semaphore_mem>>)
      %dma_wait3A_781 = arith.constant 0 : i32
      %dma_wait3A_782 = tpu.memref_slice %arg10[%run_scoped3A_770, %mul3A_2, %dma_wait3A_781] : memref<6x4096x64xf32, #tpu.memory_space<hbm>> -> memref<1x128x64xf32, #tpu.memory_space<hbm>>
      %dma_wait3A_783 = tpu.memref_squeeze %dma_wait3A_782 : memref<1x128x64xf32, #tpu.memory_space<hbm>> -> memref<128x64xf32, #tpu.memory_space<hbm>>
      %dma_wait3A_784 = arith.constant 0 : i32
      %dma_wait3A_785 = tpu.memref_slice %arg10[%run_scoped3A_770, %mul3A_2, %dma_wait3A_784] : memref<6x4096x64xf32, #tpu.memory_space<hbm>> -> memref<1x128x64xf32, #tpu.memory_space<hbm>>
      %dma_wait3A_786 = tpu.memref_squeeze %dma_wait3A_785 : memref<1x128x64xf32, #tpu.memory_space<hbm>> -> memref<128x64xf32, #tpu.memory_space<hbm>>
      tpu.wait_dma2 semaphore(%run_scoped3A_774 : memref<!tpu.dma_semaphore, #tpu.memory_space<semaphore_mem>>) src(%arg19 : memref<128x64xf32, #tpu.memory_space<vmem>>) dst(%dma_wait3A_786 : memref<128x64xf32, #tpu.memory_space<hbm>>)
      tpu.yield
    }) : () -> ()
    %run_scoped3A_771 = arith.constant 3 : i32
    "tpu.region"() ({
      %run_scoped3A_774 = tpu.sem_alloc : memref<!tpu.dma_semaphore, #tpu.memory_space<semaphore_mem>>
      %dma_start3A_775 = arith.constant 0 : i32
      %dma_start3A_776 = tpu.memref_slice %arg10[%run_scoped3A_771, %mul3A_2, %dma_start3A_775] : memref<6x4096x64xf32, #tpu.memory_space<hbm>> -> memref<1x128x64xf32, #tpu.memory_space<hbm>>
      %dma_start3A_777 = tpu.memref_squeeze %dma_start3A_776 : memref<1x128x64xf32, #tpu.memory_space<hbm>> -> memref<128x64xf32, #tpu.memory_space<hbm>>
      %dma_start3A_778 = arith.constant 0 : i32
      %dma_start3A_779 = tpu.memref_slice %arg10[%run_scoped3A_771, %mul3A_2, %dma_start3A_778] : memref<6x4096x64xf32, #tpu.memory_space<hbm>> -> memref<1x128x64xf32, #tpu.memory_space<hbm>>
      %dma_start3A_780 = tpu.memref_squeeze %dma_start3A_779 : memref<1x128x64xf32, #tpu.memory_space<hbm>> -> memref<128x64xf32, #tpu.memory_space<hbm>>
      tpu.enqueue_dma source(%arg20 : memref<128x64xf32, #tpu.memory_space<vmem>>) target(%dma_start3A_780 : memref<128x64xf32, #tpu.memory_space<hbm>>) target_semaphore(%run_scoped3A_774 : memref<!tpu.dma_semaphore, #tpu.memory_space<semaphore_mem>>)
      %dma_wait3A_781 = arith.constant 0 : i32
      %dma_wait3A_782 = tpu.memref_slice %arg10[%run_scoped3A_771, %mul3A_2, %dma_wait3A_781] : memref<6x4096x64xf32, #tpu.memory_space<hbm>> -> memref<1x128x64xf32, #tpu.memory_space<hbm>>
      %dma_wait3A_783 = tpu.memref_squeeze %dma_wait3A_782 : memref<1x128x64xf32, #tpu.memory_space<hbm>> -> memref<128x64xf32, #tpu.memory_space<hbm>>
      %dma_wait3A_784 = arith.constant 0 : i32
      %dma_wait3A_785 = tpu.memref_slice %arg10[%run_scoped3A_771, %mul3A_2, %dma_wait3A_784] : memref<6x4096x64xf32, #tpu.memory_space<hbm>> -> memref<1x128x64xf32, #tpu.memory_space<hbm>>
      %dma_wait3A_786 = tpu.memref_squeeze %dma_wait3A_785 : memref<1x128x64xf32, #tpu.memory_space<hbm>> -> memref<128x64xf32, #tpu.memory_space<hbm>>
      tpu.wait_dma2 semaphore(%run_scoped3A_774 : memref<!tpu.dma_semaphore, #tpu.memory_space<semaphore_mem>>) src(%arg20 : memref<128x64xf32, #tpu.memory_space<vmem>>) dst(%dma_wait3A_786 : memref<128x64xf32, #tpu.memory_space<hbm>>)
      tpu.yield
    }) : () -> ()
    %run_scoped3A_772 = arith.constant 4 : i32
    "tpu.region"() ({
      %run_scoped3A_774 = tpu.sem_alloc : memref<!tpu.dma_semaphore, #tpu.memory_space<semaphore_mem>>
      %dma_start3A_775 = arith.constant 0 : i32
      %dma_start3A_776 = tpu.memref_slice %arg10[%run_scoped3A_772, %mul3A_2, %dma_start3A_775] : memref<6x4096x64xf32, #tpu.memory_space<hbm>> -> memref<1x128x64xf32, #tpu.memory_space<hbm>>
      %dma_start3A_777 = tpu.memref_squeeze %dma_start3A_776 : memref<1x128x64xf32, #tpu.memory_space<hbm>> -> memref<128x64xf32, #tpu.memory_space<hbm>>
      %dma_start3A_778 = arith.constant 0 : i32
      %dma_start3A_779 = tpu.memref_slice %arg10[%run_scoped3A_772, %mul3A_2, %dma_start3A_778] : memref<6x4096x64xf32, #tpu.memory_space<hbm>> -> memref<1x128x64xf32, #tpu.memory_space<hbm>>
      %dma_start3A_780 = tpu.memref_squeeze %dma_start3A_779 : memref<1x128x64xf32, #tpu.memory_space<hbm>> -> memref<128x64xf32, #tpu.memory_space<hbm>>
      tpu.enqueue_dma source(%arg21 : memref<128x64xf32, #tpu.memory_space<vmem>>) target(%dma_start3A_780 : memref<128x64xf32, #tpu.memory_space<hbm>>) target_semaphore(%run_scoped3A_774 : memref<!tpu.dma_semaphore, #tpu.memory_space<semaphore_mem>>)
      %dma_wait3A_781 = arith.constant 0 : i32
      %dma_wait3A_782 = tpu.memref_slice %arg10[%run_scoped3A_772, %mul3A_2, %dma_wait3A_781] : memref<6x4096x64xf32, #tpu.memory_space<hbm>> -> memref<1x128x64xf32, #tpu.memory_space<hbm>>
      %dma_wait3A_783 = tpu.memref_squeeze %dma_wait3A_782 : memref<1x128x64xf32, #tpu.memory_space<hbm>> -> memref<128x64xf32, #tpu.memory_space<hbm>>
      %dma_wait3A_784 = arith.constant 0 : i32
      %dma_wait3A_785 = tpu.memref_slice %arg10[%run_scoped3A_772, %mul3A_2, %dma_wait3A_784] : memref<6x4096x64xf32, #tpu.memory_space<hbm>> -> memref<1x128x64xf32, #tpu.memory_space<hbm>>
      %dma_wait3A_786 = tpu.memref_squeeze %dma_wait3A_785 : memref<1x128x64xf32, #tpu.memory_space<hbm>> -> memref<128x64xf32, #tpu.memory_space<hbm>>
      tpu.wait_dma2 semaphore(%run_scoped3A_774 : memref<!tpu.dma_semaphore, #tpu.memory_space<semaphore_mem>>) src(%arg21 : memref<128x64xf32, #tpu.memory_space<vmem>>) dst(%dma_wait3A_786 : memref<128x64xf32, #tpu.memory_space<hbm>>)
      tpu.yield
    }) : () -> ()
    %run_scoped3A_773 = arith.constant 5 : i32
    "tpu.region"() ({
      %run_scoped3A_774 = tpu.sem_alloc : memref<!tpu.dma_semaphore, #tpu.memory_space<semaphore_mem>>
      %dma_start3A_775 = arith.constant 0 : i32
      %dma_start3A_776 = tpu.memref_slice %arg10[%run_scoped3A_773, %mul3A_2, %dma_start3A_775] : memref<6x4096x64xf32, #tpu.memory_space<hbm>> -> memref<1x128x64xf32, #tpu.memory_space<hbm>>
      %dma_start3A_777 = tpu.memref_squeeze %dma_start3A_776 : memref<1x128x64xf32, #tpu.memory_space<hbm>> -> memref<128x64xf32, #tpu.memory_space<hbm>>
      %dma_start3A_778 = arith.constant 0 : i32
      %dma_start3A_779 = tpu.memref_slice %arg10[%run_scoped3A_773, %mul3A_2, %dma_start3A_778] : memref<6x4096x64xf32, #tpu.memory_space<hbm>> -> memref<1x128x64xf32, #tpu.memory_space<hbm>>
      %dma_start3A_780 = tpu.memref_squeeze %dma_start3A_779 : memref<1x128x64xf32, #tpu.memory_space<hbm>> -> memref<128x64xf32, #tpu.memory_space<hbm>>
      tpu.enqueue_dma source(%arg22 : memref<128x64xf32, #tpu.memory_space<vmem>>) target(%dma_start3A_780 : memref<128x64xf32, #tpu.memory_space<hbm>>) target_semaphore(%run_scoped3A_774 : memref<!tpu.dma_semaphore, #tpu.memory_space<semaphore_mem>>)
      %dma_wait3A_781 = arith.constant 0 : i32
      %dma_wait3A_782 = tpu.memref_slice %arg10[%run_scoped3A_773, %mul3A_2, %dma_wait3A_781] : memref<6x4096x64xf32, #tpu.memory_space<hbm>> -> memref<1x128x64xf32, #tpu.memory_space<hbm>>
      %dma_wait3A_783 = tpu.memref_squeeze %dma_wait3A_782 : memref<1x128x64xf32, #tpu.memory_space<hbm>> -> memref<128x64xf32, #tpu.memory_space<hbm>>
      %dma_wait3A_784 = arith.constant 0 : i32
      %dma_wait3A_785 = tpu.memref_slice %arg10[%run_scoped3A_773, %mul3A_2, %dma_wait3A_784] : memref<6x4096x64xf32, #tpu.memory_space<hbm>> -> memref<1x128x64xf32, #tpu.memory_space<hbm>>
      %dma_wait3A_786 = tpu.memref_squeeze %dma_wait3A_785 : memref<1x128x64xf32, #tpu.memory_space<hbm>> -> memref<128x64xf32, #tpu.memory_space<hbm>>
      tpu.wait_dma2 semaphore(%run_scoped3A_774 : memref<!tpu.dma_semaphore, #tpu.memory_space<semaphore_mem>>) src(%arg22 : memref<128x64xf32, #tpu.memory_space<vmem>>) dst(%dma_wait3A_786 : memref<128x64xf32, #tpu.memory_space<hbm>>)
      tpu.yield
    }) : () -> ()
    return
  }
}

module attributes {stable_mosaic.version = 14 : i64} {
  func.func @_tc_body(%arg0: i32, %arg1: memref<256x1xi32, #tpu.memory_space<vmem>>, %arg2: memref<256x1xi32, #tpu.memory_space<vmem>>, %arg3: memref<6x256x64xf32, #tpu.memory_space<vmem>>, %arg4: memref<1000x4096xf32, #tpu.memory_space<vmem>>, %arg5: memref<64x4096xf32, #tpu.memory_space<vmem>>, %arg6: memref<4096x64xf32, #tpu.memory_space<vmem>>, %arg7: memref<1x1xf32, #tpu.memory_space<vmem>>, %arg8: memref<1x1xf32, #tpu.memory_space<vmem>>) attributes {dimension_semantics = [#tpu.dimension_semantics<arbitrary>], iteration_bounds = array<i64: 16>, scalar_prefetch = 0 : i64, scratch_operands = 0 : i64, tpu.core_type = #tpu.core_type<tc>, window_params = [{transform_indices = @transform_0, window_bounds = array<i64: 256, 1>}, {transform_indices = @transform_1, window_bounds = array<i64: 256, 1>}, {transform_indices = @transform_2, window_bounds = array<i64: 6, 256, 64>}, {pipeline_mode = #tpu.pipeline_mode<synchronous>, transform_indices = @transform_3, window_bounds = array<i64: 1000, 4096>}, {pipeline_mode = #tpu.pipeline_mode<synchronous>, transform_indices = @transform_4, window_bounds = array<i64: 64, 4096>}, {pipeline_mode = #tpu.pipeline_mode<synchronous>, transform_indices = @transform_5, window_bounds = array<i64: 4096, 64>}, {pipeline_mode = #tpu.pipeline_mode<synchronous>, transform_indices = @transform_6, window_bounds = array<i64: 1, 1>}, {pipeline_mode = #tpu.pipeline_mode<synchronous>, transform_indices = @transform_7, window_bounds = array<i64: 1, 1>}]} {
    %get3A = arith.constant 0 : index
    %get3A_0 = arith.constant 0 : index
    %get3A_1 = vector.load %arg7[%get3A, %get3A_0] : memref<1x1xf32, #tpu.memory_space<vmem>>, vector<1x1xf32>
    %get3A_2 = vector.extract %get3A_1[0, 0] : f32 from vector<1x1xf32>
    %get3A_3 = arith.constant 0 : index
    %get3A_4 = arith.constant 0 : index
    %get3A_5 = vector.load %arg4[%get3A_3, %get3A_4] : memref<1000x4096xf32, #tpu.memory_space<vmem>>, vector<1000x4096xf32>
    %get3A_6 = arith.constant 0 : index
    %get3A_7 = arith.constant 0 : index
    %get3A_8 = vector.load %arg5[%get3A_6, %get3A_7] : memref<64x4096xf32, #tpu.memory_space<vmem>>, vector<64x4096xf32>
    %get3A_9 = arith.constant 0 : index
    %get3A_10 = arith.constant 0 : index
    %get3A_11 = vector.load %arg6[%get3A_9, %get3A_10] : memref<4096x64xf32, #tpu.memory_space<vmem>>, vector<4096x64xf32>
    %get3A_12 = arith.constant 0 : index
    %get3A_13 = arith.constant 0 : index
    %get3A_14 = arith.constant 0 : index
    %get3A_15 = vector.load %arg3[%get3A_12, %get3A_13, %get3A_14] : memref<6x256x64xf32, #tpu.memory_space<vmem>>, vector<6x256x64xf32>
    %get3A_16 = arith.constant 0 : index
    %get3A_17 = arith.constant 0 : index
    %get3A_18 = vector.load %arg1[%get3A_16, %get3A_17] : memref<256x1xi32, #tpu.memory_space<vmem>>, vector<256x1xi32>
    %slice3A = vector.extract_strided_slice %get3A_15 {offsets = [0, 0, 0], sizes = [1, 256, 64], strides = [1, 1, 1]} : vector<6x256x64xf32> to vector<1x256x64xf32>
    %squeeze3A = vector.shape_cast %slice3A : vector<1x256x64xf32> to vector<256x64xf32>
    %slice3A_19 = vector.extract_strided_slice %get3A_15 {offsets = [1, 0, 0], sizes = [1, 256, 64], strides = [1, 1, 1]} : vector<6x256x64xf32> to vector<1x256x64xf32>
    %squeeze3A_20 = vector.shape_cast %slice3A_19 : vector<1x256x64xf32> to vector<256x64xf32>
    %slice3A_21 = vector.extract_strided_slice %get3A_15 {offsets = [4, 0, 0], sizes = [1, 256, 64], strides = [1, 1, 1]} : vector<6x256x64xf32> to vector<1x256x64xf32>
    %squeeze3A_22 = vector.shape_cast %slice3A_21 : vector<1x256x64xf32> to vector<256x64xf32>
    %iota3A = tpu.iota {dimensions = array<i32: 1>} : vector<256x1000xi32>
    %eq3A = vector.broadcast %get3A_18 : vector<256x1xi32> to vector<256x1000xi32>
    %eq3A_23 = arith.cmpi eq, %iota3A, %eq3A : vector<256x1000xi32>
    %convert_element_type3A = arith.extui %eq3A_23 : vector<256x1000xi1> to vector<256x1000xi32>
    %convert_element_type3A_24 = arith.sitofp %convert_element_type3A : vector<256x1000xi32> to vector<256x1000xf32>
    %dot_general3A = arith.constant dense<0.000000e+00> : vector<256x4096xf32>
    %dot_general3A_25 = tpu.matmul %convert_element_type3A_24, %get3A_5, %dot_general3A {dimension_numbers = #tpu.dot_dimension_numbers<[1], [0], [0], [1], [0, 0, 1, 1], [], []>, transpose_lhs_hint = false} : vector<256x1000xf32>, vector<1000x4096xf32>, vector<256x4096xf32> -> vector<256x4096xf32>
    %dot_general3A_26 = arith.constant dense<0.000000e+00> : vector<256x4096xf32>
    %dot_general3A_27 = tpu.matmul %squeeze3A, %get3A_8, %dot_general3A_26 {dimension_numbers = #tpu.dot_dimension_numbers<[1], [0], [0], [1], [0, 0, 1, 1], [], []>, transpose_lhs_hint = false} : vector<256x64xf32>, vector<64x4096xf32>, vector<256x4096xf32> -> vector<256x4096xf32>
    %mul3A = arith.mulf %dot_general3A_27, %dot_general3A_25 : vector<256x4096xf32>
    %dot_general3A_28 = arith.constant dense<0.000000e+00> : vector<256x64xf32>
    %dot_general3A_29 = tpu.matmul %mul3A, %get3A_11, %dot_general3A_28 {dimension_numbers = #tpu.dot_dimension_numbers<[1], [0], [0], [1], [0, 0, 1, 1], [], []>, transpose_lhs_hint = false} : vector<256x4096xf32>, vector<4096x64xf32>, vector<256x64xf32> -> vector<256x64xf32>
    %mul3A_30 = arith.mulf %dot_general3A_29, %dot_general3A_29 : vector<256x64xf32>
    %reduce_sum3A = arith.constant dense<0.000000e+00> : vector<256xf32>
    %reduce_sum3A_31 = vector.multi_reduction <add>, %mul3A_30, %reduce_sum3A [1] : vector<256x64xf32> to vector<256xf32>
    %broadcast_in_dim3A = vector.shape_cast %reduce_sum3A_31 : vector<256xf32> to vector<256x1xf32>
    %max3A = arith.constant 9.99999996E-13 : f32
    %max3A_32 = vector.broadcast %max3A : f32 to vector<256x1xf32>
    %max3A_33 = arith.maximumf %broadcast_in_dim3A, %max3A_32 : vector<256x1xf32>
    %rsqrt3A = math.rsqrt %max3A_33 : vector<256x1xf32>
    %mul3A_34 = vector.broadcast %rsqrt3A : vector<256x1xf32> to vector<256x64xf32>
    %mul3A_35 = arith.mulf %dot_general3A_29, %mul3A_34 : vector<256x64xf32>
    %add3A = arith.addf %mul3A_35, %squeeze3A_22 : vector<256x64xf32>
    %dot_general3A_36 = arith.constant dense<0.000000e+00> : vector<256x4096xf32>
    %dot_general3A_37 = tpu.matmul %squeeze3A_20, %get3A_8, %dot_general3A_36 {dimension_numbers = #tpu.dot_dimension_numbers<[1], [0], [0], [1], [0, 0, 1, 1], [], []>, transpose_lhs_hint = false} : vector<256x64xf32>, vector<64x4096xf32>, vector<256x4096xf32> -> vector<256x4096xf32>
    %mul3A_38 = arith.mulf %dot_general3A_37, %dot_general3A_25 : vector<256x4096xf32>
    %dot_general3A_39 = arith.constant dense<0.000000e+00> : vector<256x64xf32>
    %dot_general3A_40 = tpu.matmul %mul3A_38, %get3A_11, %dot_general3A_39 {dimension_numbers = #tpu.dot_dimension_numbers<[1], [0], [0], [1], [0, 0, 1, 1], [], []>, transpose_lhs_hint = false} : vector<256x4096xf32>, vector<4096x64xf32>, vector<256x64xf32> -> vector<256x64xf32>
    %mul3A_41 = arith.mulf %dot_general3A_40, %dot_general3A_40 : vector<256x64xf32>
    %reduce_sum3A_42 = arith.constant dense<0.000000e+00> : vector<256xf32>
    %reduce_sum3A_43 = vector.multi_reduction <add>, %mul3A_41, %reduce_sum3A_42 [1] : vector<256x64xf32> to vector<256xf32>
    %broadcast_in_dim3A_44 = vector.shape_cast %reduce_sum3A_43 : vector<256xf32> to vector<256x1xf32>
    %max3A_45 = arith.constant 9.99999996E-13 : f32
    %max3A_46 = vector.broadcast %max3A_45 : f32 to vector<256x1xf32>
    %max3A_47 = arith.maximumf %broadcast_in_dim3A_44, %max3A_46 : vector<256x1xf32>
    %rsqrt3A_48 = math.rsqrt %max3A_47 : vector<256x1xf32>
    %mul3A_49 = vector.broadcast %rsqrt3A_48 : vector<256x1xf32> to vector<256x64xf32>
    %mul3A_50 = arith.mulf %dot_general3A_40, %mul3A_49 : vector<256x64xf32>
    %sub3A = arith.subf %add3A, %mul3A_50 : vector<256x64xf32>
    %abs3A = math.absf %sub3A : vector<256x64xf32>
    %reduce_sum3A_51 = arith.constant dense<0.000000e+00> : vector<256xf32>
    %reduce_sum3A_52 = vector.multi_reduction <add>, %abs3A, %reduce_sum3A_51 [1] : vector<256x64xf32> to vector<256xf32>
    %broadcast_in_dim3A_53 = vector.shape_cast %reduce_sum3A_52 : vector<256xf32> to vector<256x1xf32>
    %mul3A_54 = arith.mulf %sub3A, %sub3A : vector<256x64xf32>
    %reduce_sum3A_55 = arith.constant dense<0.000000e+00> : vector<256xf32>
    %reduce_sum3A_56 = vector.multi_reduction <add>, %mul3A_54, %reduce_sum3A_55 [1] : vector<256x64xf32> to vector<256xf32>
    %broadcast_in_dim3A_57 = vector.shape_cast %reduce_sum3A_56 : vector<256xf32> to vector<256x1xf32>
    %mul3A_58 = vector.broadcast %get3A_2 : f32 to vector<256x1xf32>
    %mul3A_59 = arith.mulf %mul3A_58, %broadcast_in_dim3A_53 : vector<256x1xf32>
    %sub3A_60 = arith.constant 1.000000e+00 : f32
    %sub3A_61 = arith.subf %sub3A_60, %get3A_2 : f32
    %mul3A_62 = vector.broadcast %sub3A_61 : f32 to vector<256x1xf32>
    %mul3A_63 = arith.mulf %mul3A_62, %broadcast_in_dim3A_57 : vector<256x1xf32>
    %add3A_64 = arith.addf %mul3A_59, %mul3A_63 : vector<256x1xf32>
    %get3A_65 = arith.constant 0 : index
    %get3A_66 = arith.constant 0 : index
    %get3A_67 = vector.load %arg2[%get3A_65, %get3A_66] : memref<256x1xi32, #tpu.memory_space<vmem>>, vector<256x1xi32>
    %slice3A_68 = vector.extract_strided_slice %get3A_15 {offsets = [2, 0, 0], sizes = [1, 256, 64], strides = [1, 1, 1]} : vector<6x256x64xf32> to vector<1x256x64xf32>
    %squeeze3A_69 = vector.shape_cast %slice3A_68 : vector<1x256x64xf32> to vector<256x64xf32>
    %slice3A_70 = vector.extract_strided_slice %get3A_15 {offsets = [3, 0, 0], sizes = [1, 256, 64], strides = [1, 1, 1]} : vector<6x256x64xf32> to vector<1x256x64xf32>
    %squeeze3A_71 = vector.shape_cast %slice3A_70 : vector<1x256x64xf32> to vector<256x64xf32>
    %slice3A_72 = vector.extract_strided_slice %get3A_15 {offsets = [5, 0, 0], sizes = [1, 256, 64], strides = [1, 1, 1]} : vector<6x256x64xf32> to vector<1x256x64xf32>
    %squeeze3A_73 = vector.shape_cast %slice3A_72 : vector<1x256x64xf32> to vector<256x64xf32>
    %iota3A_74 = tpu.iota {dimensions = array<i32: 1>} : vector<256x1000xi32>
    %eq3A_75 = vector.broadcast %get3A_67 : vector<256x1xi32> to vector<256x1000xi32>
    %eq3A_76 = arith.cmpi eq, %iota3A_74, %eq3A_75 : vector<256x1000xi32>
    %convert_element_type3A_77 = arith.extui %eq3A_76 : vector<256x1000xi1> to vector<256x1000xi32>
    %convert_element_type3A_78 = arith.sitofp %convert_element_type3A_77 : vector<256x1000xi32> to vector<256x1000xf32>
    %dot_general3A_79 = arith.constant dense<0.000000e+00> : vector<256x4096xf32>
    %dot_general3A_80 = tpu.matmul %convert_element_type3A_78, %get3A_5, %dot_general3A_79 {dimension_numbers = #tpu.dot_dimension_numbers<[1], [0], [0], [1], [0, 0, 1, 1], [], []>, transpose_lhs_hint = false} : vector<256x1000xf32>, vector<1000x4096xf32>, vector<256x4096xf32> -> vector<256x4096xf32>
    %dot_general3A_81 = arith.constant dense<0.000000e+00> : vector<256x4096xf32>
    %dot_general3A_82 = tpu.matmul %squeeze3A_69, %get3A_8, %dot_general3A_81 {dimension_numbers = #tpu.dot_dimension_numbers<[1], [0], [0], [1], [0, 0, 1, 1], [], []>, transpose_lhs_hint = false} : vector<256x64xf32>, vector<64x4096xf32>, vector<256x4096xf32> -> vector<256x4096xf32>
    %mul3A_83 = arith.mulf %dot_general3A_82, %dot_general3A_80 : vector<256x4096xf32>
    %dot_general3A_84 = arith.constant dense<0.000000e+00> : vector<256x64xf32>
    %dot_general3A_85 = tpu.matmul %mul3A_83, %get3A_11, %dot_general3A_84 {dimension_numbers = #tpu.dot_dimension_numbers<[1], [0], [0], [1], [0, 0, 1, 1], [], []>, transpose_lhs_hint = false} : vector<256x4096xf32>, vector<4096x64xf32>, vector<256x64xf32> -> vector<256x64xf32>
    %mul3A_86 = arith.mulf %dot_general3A_85, %dot_general3A_85 : vector<256x64xf32>
    %reduce_sum3A_87 = arith.constant dense<0.000000e+00> : vector<256xf32>
    %reduce_sum3A_88 = vector.multi_reduction <add>, %mul3A_86, %reduce_sum3A_87 [1] : vector<256x64xf32> to vector<256xf32>
    %broadcast_in_dim3A_89 = vector.shape_cast %reduce_sum3A_88 : vector<256xf32> to vector<256x1xf32>
    %max3A_90 = arith.constant 9.99999996E-13 : f32
    %max3A_91 = vector.broadcast %max3A_90 : f32 to vector<256x1xf32>
    %max3A_92 = arith.maximumf %broadcast_in_dim3A_89, %max3A_91 : vector<256x1xf32>
    %rsqrt3A_93 = math.rsqrt %max3A_92 : vector<256x1xf32>
    %mul3A_94 = vector.broadcast %rsqrt3A_93 : vector<256x1xf32> to vector<256x64xf32>
    %mul3A_95 = arith.mulf %dot_general3A_85, %mul3A_94 : vector<256x64xf32>
    %add3A_96 = arith.addf %mul3A_95, %squeeze3A_73 : vector<256x64xf32>
    %dot_general3A_97 = arith.constant dense<0.000000e+00> : vector<256x4096xf32>
    %dot_general3A_98 = tpu.matmul %squeeze3A_71, %get3A_8, %dot_general3A_97 {dimension_numbers = #tpu.dot_dimension_numbers<[1], [0], [0], [1], [0, 0, 1, 1], [], []>, transpose_lhs_hint = false} : vector<256x64xf32>, vector<64x4096xf32>, vector<256x4096xf32> -> vector<256x4096xf32>
    %mul3A_99 = arith.mulf %dot_general3A_98, %dot_general3A_80 : vector<256x4096xf32>
    %dot_general3A_100 = arith.constant dense<0.000000e+00> : vector<256x64xf32>
    %dot_general3A_101 = tpu.matmul %mul3A_99, %get3A_11, %dot_general3A_100 {dimension_numbers = #tpu.dot_dimension_numbers<[1], [0], [0], [1], [0, 0, 1, 1], [], []>, transpose_lhs_hint = false} : vector<256x4096xf32>, vector<4096x64xf32>, vector<256x64xf32> -> vector<256x64xf32>
    %mul3A_102 = arith.mulf %dot_general3A_101, %dot_general3A_101 : vector<256x64xf32>
    %reduce_sum3A_103 = arith.constant dense<0.000000e+00> : vector<256xf32>
    %reduce_sum3A_104 = vector.multi_reduction <add>, %mul3A_102, %reduce_sum3A_103 [1] : vector<256x64xf32> to vector<256xf32>
    %broadcast_in_dim3A_105 = vector.shape_cast %reduce_sum3A_104 : vector<256xf32> to vector<256x1xf32>
    %max3A_106 = arith.constant 9.99999996E-13 : f32
    %max3A_107 = vector.broadcast %max3A_106 : f32 to vector<256x1xf32>
    %max3A_108 = arith.maximumf %broadcast_in_dim3A_105, %max3A_107 : vector<256x1xf32>
    %rsqrt3A_109 = math.rsqrt %max3A_108 : vector<256x1xf32>
    %mul3A_110 = vector.broadcast %rsqrt3A_109 : vector<256x1xf32> to vector<256x64xf32>
    %mul3A_111 = arith.mulf %dot_general3A_101, %mul3A_110 : vector<256x64xf32>
    %sub3A_112 = arith.subf %add3A_96, %mul3A_111 : vector<256x64xf32>
    %abs3A_113 = math.absf %sub3A_112 : vector<256x64xf32>
    %reduce_sum3A_114 = arith.constant dense<0.000000e+00> : vector<256xf32>
    %reduce_sum3A_115 = vector.multi_reduction <add>, %abs3A_113, %reduce_sum3A_114 [1] : vector<256x64xf32> to vector<256xf32>
    %broadcast_in_dim3A_116 = vector.shape_cast %reduce_sum3A_115 : vector<256xf32> to vector<256x1xf32>
    %mul3A_117 = arith.mulf %sub3A_112, %sub3A_112 : vector<256x64xf32>
    %reduce_sum3A_118 = arith.constant dense<0.000000e+00> : vector<256xf32>
    %reduce_sum3A_119 = vector.multi_reduction <add>, %mul3A_117, %reduce_sum3A_118 [1] : vector<256x64xf32> to vector<256xf32>
    %broadcast_in_dim3A_120 = vector.shape_cast %reduce_sum3A_119 : vector<256xf32> to vector<256x1xf32>
    %mul3A_121 = vector.broadcast %get3A_2 : f32 to vector<256x1xf32>
    %mul3A_122 = arith.mulf %mul3A_121, %broadcast_in_dim3A_116 : vector<256x1xf32>
    %sub3A_123 = arith.constant 1.000000e+00 : f32
    %sub3A_124 = arith.subf %sub3A_123, %get3A_2 : f32
    %mul3A_125 = vector.broadcast %sub3A_124 : f32 to vector<256x1xf32>
    %mul3A_126 = arith.mulf %mul3A_125, %broadcast_in_dim3A_120 : vector<256x1xf32>
    %add3A_127 = arith.addf %mul3A_122, %mul3A_126 : vector<256x1xf32>
    %sub3A_128 = arith.subf %add3A_64, %add3A_127 : vector<256x1xf32>
    %add3A_129 = arith.constant 1.000000e+00 : f32
    %add3A_130 = vector.broadcast %add3A_129 : f32 to vector<256x1xf32>
    %add3A_131 = arith.addf %sub3A_128, %add3A_130 : vector<256x1xf32>
    %max3A_132 = arith.constant 0.000000e+00 : f32
    %max3A_133 = vector.broadcast %max3A_132 : f32 to vector<256x1xf32>
    %max3A_134 = arith.maximumf %add3A_131, %max3A_133 : vector<256x1xf32>
    %reduce_sum3A_135 = vector.shape_cast %max3A_134 : vector<256x1xf32> to vector<1x256x1xf32>
    %reduce_sum3A_136 = arith.constant dense<0.000000e+00> : vector<1xf32>
    %reduce_sum3A_137 = vector.multi_reduction <add>, %reduce_sum3A_135, %reduce_sum3A_136 [1, 2] : vector<1x256x1xf32> to vector<1xf32>
    %reduce_sum3A_138 = vector.shape_cast %reduce_sum3A_137 : vector<1xf32> to vector<1x1x1xf32>
    %reduce_sum3A_139 = vector.extract %reduce_sum3A_138[0, 0, 0] : f32 from vector<1x1x1xf32>
    %broadcast_in_dim3A_140 = vector.broadcast %reduce_sum3A_139 : f32 to vector<1x1xf32>
    %eq3A_141 = arith.constant 0 : i32
    %eq3A_142 = arith.cmpi eq, %arg0, %eq3A_141 : i32
    %broadcast_in_dim3A_143 = arith.constant 0.000000e+00 : f32
    %broadcast_in_dim3A_144 = vector.broadcast %broadcast_in_dim3A_143 : f32 to vector<1x1xf32>
    %get3A_145 = arith.constant 0 : index
    %get3A_146 = arith.constant 0 : index
    %get3A_147 = vector.load %arg8[%get3A_145, %get3A_146] : memref<1x1xf32, #tpu.memory_space<vmem>>, vector<1x1xf32>
    %select_n3A = arith.select %eq3A_142, %broadcast_in_dim3A_144, %get3A_147 : vector<1x1xf32>
    %add3A_148 = arith.addf %select_n3A, %broadcast_in_dim3A_140 : vector<1x1xf32>
    %swap3A = arith.constant 0 : index
    %swap3A_149 = arith.constant 0 : index
    %swap3A_150 = vector.load %arg8[%swap3A, %swap3A_149] : memref<1x1xf32, #tpu.memory_space<vmem>>, vector<1x1xf32>
    tpu.vector_store %arg8[%swap3A, %swap3A_149], %add3A_148 {strides = array<i32>} : memref<1x1xf32, #tpu.memory_space<vmem>>, vector<1x1xf32>,
    return
  }
  func.func @transform_0(%arg0: i32) -> (i32, i32) {
    %c0_i32 = arith.constant 0 : i32
    %c0_i32_0 = arith.constant 0 : i32
    return %arg0, %c0_i32 : i32, i32
  }
  func.func @transform_1(%arg0: i32) -> (i32, i32) {
    %c0_i32 = arith.constant 0 : i32
    %c0_i32_0 = arith.constant 0 : i32
    return %arg0, %c0_i32 : i32, i32
  }
  func.func @transform_2(%arg0: i32) -> (i32, i32, i32) {
    %c0_i32 = arith.constant 0 : i32
    %c0_i32_0 = arith.constant 0 : i32
    %c0_i32_1 = arith.constant 0 : i32
    return %c0_i32, %arg0, %c0_i32_0 : i32, i32, i32
  }
  func.func @transform_3(%arg0: i32) -> (i32, i32) {
    %c0_i32 = arith.constant 0 : i32
    %c0_i32_0 = arith.constant 0 : i32
    %c0_i32_1 = arith.constant 0 : i32
    return %c0_i32, %c0_i32_0 : i32, i32
  }
  func.func @transform_4(%arg0: i32) -> (i32, i32) {
    %c0_i32 = arith.constant 0 : i32
    %c0_i32_0 = arith.constant 0 : i32
    %c0_i32_1 = arith.constant 0 : i32
    return %c0_i32, %c0_i32_0 : i32, i32
  }
  func.func @transform_5(%arg0: i32) -> (i32, i32) {
    %c0_i32 = arith.constant 0 : i32
    %c0_i32_0 = arith.constant 0 : i32
    %c0_i32_1 = arith.constant 0 : i32
    return %c0_i32, %c0_i32_0 : i32, i32
  }
  func.func @transform_6(%arg0: i32) -> (i32, i32) {
    %c0_i32 = arith.constant 0 : i32
    %c0_i32_0 = arith.constant 0 : i32
    %c0_i32_1 = arith.constant 0 : i32
    return %c0_i32, %c0_i32_0 : i32, i32
  }
  func.func @transform_7(%arg0: i32) -> (i32, i32) {
    %c0_i32 = arith.constant 0 : i32
    %c0_i32_0 = arith.constant 0 : i32
    %c0_i32_1 = arith.constant 0 : i32
    return %c0_i32, %c0_i32_0 : i32, i32
  }
}

</mosaic_0001>

<sc_bundles>
// kernel: kernel.4.cloned.1.call-start
scs
__scs_entry_jumppad:
0x0: {  	(pc) =	sbr.rel $0x88, $3  }
0x1: {  	(tag) =	ssettag $0x0;
	lr =	simm.s32 $0x1  }
0x2: {  	[smem:$0x3F9C] =	sst lr;
	_ =	strace $0xD0000000  }
0x3: {  	_ = 	snop  }
0x4: {  	_ = 	snop  }
0x5: {  	_ = 	snop  }
0x6: {  	_ = 	snop  }
0x7: {  	_ = 	snop  }
__scs_overlays_trampoline_lowered:
0x8: {  	[smem:$0x3FAB] =	sst s0  }
0x9: {  	[smem:$0x3FAC] =	sst s1  }
0xa: {  	[smem:$0x3FAD] =	sst s2  }
0xb: {  	[smem:$0x3FAE] =	sst s3  }
0xc: {  	[smem:$0x3FAF] =	sst s4  }
0xd: {  	[smem:$0x3FB0] =	sst s5  }
0xe: {  	[smem:$0x3FB1] =	sst s6  }
0xf: {  	[smem:$0x3FB2] =	sst s7  }
0x10: {  	[smem:$0x3FB3] =	sst s8  }
0x11: {  	[smem:$0x3FB4] =	sst s9;
	s0 =	simm.s32 @!p0 $0x0  }
0x12: {  	s1 =	sld [smem:$0x3F9A];
	s0 =	simm.s32 @p0 $0x1  }
0x13: {  	[smem:$0x3FB5] =	sst s0;
	s0 =	simm.s32 @!p1 $0x0  }
0x14: {  	s2 =	sld [smem:$0x3F99];
	s0 =	simm.s32 @p1 $0x1  }
0x15: {  	[smem:$0x3FB6] =	sst s0;
	s0 =	simm.s32 @!p2 $0x0  }
0x16: {  	s3 =	sld [smem:$0x3FDB];
	s0 =	simm.s32 @p2 $0x1  }
0x17: {  	s4 =	simm.s32 $0x1BF5;
	[smem:$0x3FB8] =	sst s0  }
0x18: {  	s0 =	sld [smem:$0x3F9B];
	_ =	swait.ge [sflag:s4], $0x0  }
0x19: {  	s7 =	sld [smem:$0x3F9C]  }
0x1a: {  	s8 =	sadd.s32 $0xFFFFE003, lr  }
0x1b: {  	s9 =	sadd.s32 $0xFFFFFEF7, lr;
	s5 =	simm.s32 $0xFFFFFFFF;
	p2 =	slt.u32 s8, $0xFFFFF086  }
0x1c: {  	p1 =	slt.u32 s9, $0xF7A;
	s5 =	simm.s32 @!p2 $0x0  }
0x1d: {  	s5 =	simm.s32 @p1 $0x1;
	p0 =	seq.s32 s7, s2  }
0x1e: {  	s7 =	smul.u32 @!p0 $0xF7A, s2;
	p2 =	seq.s32 @!p0 s5, $0x0  }
0x1f: {  	s9 =	smul.u32 $0xF7A, s1;
	s8 =	simm.s32 @!p0 $0x1BF5;
	p2 =	por !p2, p0  }
0x20: {  	[sflag:s8] =	ssyncset.s32 @!p0 $0xFFFFF086;
	s6 =	sadd.s32 @!p0 s3, s7;
	s7 =	simm.s32 @!p0 $0x108  }
0x21: {  	s3 =	sadd.s32 s3, s9;
	s6 =	sadd.s32 @!p0 $0x88, s6;
	s7 =	simm.s32 @p2 $0x1082  }
0x22: {  	[simem:s7], [sflag:s8] =	dma.local @!p0 [hbm:s6], $0xF7A  }
0x23: {  	s9 =	sor.u32 $0xD0000000, s2;
	s6 =	simm.s32 $0x108;
	_ =	swait.ge @!p0 [sflag:s8], $0x0  }
0x24: {  	s3 =	sadd.s32 $0x88, s3;
	s6 =	simm.s32 @!p1 $0x1082;
	[sflag:s4] =	ssyncset.s32 $0xFFFFF086  }
0x25: {  	[simem:s6], [sflag:s4] =	dma.local [hbm:s3], $0xF7A  }
0x26: {  	[smem:$0x3F9C] =	sst s1;
	(tag) =	ssettag s2;
	_ =	strace s9  }
0x27: {  	s1 =	sld [smem:$0x3FAC]  }
0x28: {  	s2 =	sld [smem:$0x3FAD]  }
0x29: {  	s4 =	sld [smem:$0x3FAF]  }
0x2a: {  	p0 =	seq.s32 s5, $0x0;
	s5 =	sld [smem:$0x3FB0]  }
0x2b: {  	s6 =	sld [smem:$0x3FB1]  }
0x2c: {  	s7 =	sld [smem:$0x3FB2]  }
0x2d: {  	s3 =	simm.s32 $0x108;
	s8 =	sld [smem:$0x3FB3]  }
0x2e: {  	s3 =	simm.s32 @!p0 $0x1082;
	s9 =	sld [smem:$0x3FB4]  }
0x2f: {  	lr =	sadd.s32 s0, s3;
	s0 =	sld [smem:$0x3FAB]  }
0x30: {  	s3 =	sld [smem:$0x3FAE]  }
0x31: {  	[smem:$0x3FB7] =	sst s10  }
0x32: {  	s10 =	sld [smem:$0x3FB5];
	_ =	sdelay $0x3  }
0x33: {  	p0 =	seq.s32 s10, $0x1;
	s10 =	sld [smem:$0x3FB7];
	_ =	sdelay $0x3  }
0x34: {  	[smem:$0x3FB7] =	sst s10  }
0x35: {  	s10 =	sld [smem:$0x3FB6];
	_ =	sdelay $0x3  }
0x36: {  	p1 =	seq.s32 s10, $0x1;
	s10 =	sld [smem:$0x3FB7];
	_ =	sdelay $0x3  }
0x37: {  	[smem:$0x3FB7] =	sst s10  }
0x38: {  	s10 =	sld [smem:$0x3FB8]  }
0x39: {  	_ = 	snop;
	(pc) =	sbr.ind lr, $3  }
0x3a: {  	_ = 	snop  }
0x3b: {  	_ = 	snop  }
0x3c: {  	p2 =	seq.s32 s10, $0x1;
	s10 =	sld [smem:$0x3FB7]  }
0x3d: {  	_ =	shalt  }
0x3e: {  	_ =	shalt  }
0x3f: {  	_ =	shalt  }
0x40: {  	_ =	shalt  }
0x41: {  	_ =	shalt  }
0x42: {  	_ =	shalt  }
0x43: {  	_ =	shalt  }
0x44: {  	_ =	shalt  }
0x45: {  	_ =	shalt  }
0x46: {  	_ =	shalt  }
0x47: {  	_ =	shalt  }
0x48: {  	_ =	shalt  }
0x49: {  	_ =	shalt  }
0x4a: {  	_ =	shalt  }
0x4b: {  	_ =	shalt  }
0x4c: {  	_ =	shalt  }
0x4d: {  	_ =	shalt  }
0x4e: {  	_ =	shalt  }
0x4f: {  	_ =	shalt  }
0x50: {  	_ =	shalt  }
0x51: {  	_ =	shalt  }
0x52: {  	_ =	shalt  }
0x53: {  	_ =	shalt  }
0x54: {  	_ =	shalt  }
0x55: {  	_ =	shalt  }
0x56: {  	_ =	shalt  }
0x57: {  	_ =	shalt  }
0x58: {  	_ =	shalt  }
0x59: {  	_ =	shalt  }
0x5a: {  	_ =	shalt  }
0x5b: {  	_ =	shalt  }
0x5c: {  	_ =	shalt  }
0x5d: {  	_ =	shalt  }
0x5e: {  	_ =	shalt  }
0x5f: {  	_ =	shalt  }
0x60: {  	_ =	shalt  }
0x61: {  	_ =	shalt  }
0x62: {  	_ =	shalt  }
0x63: {  	_ =	shalt  }
0x64: {  	_ =	shalt  }
0x65: {  	_ =	shalt  }
0x66: {  	_ =	shalt  }
0x67: {  	_ =	shalt  }
0x68: {  	_ =	shalt  }
0x69: {  	_ =	shalt  }
0x6a: {  	_ =	shalt  }
0x6b: {  	_ =	shalt  }
0x6c: {  	_ =	shalt  }
0x6d: {  	_ =	shalt  }
0x6e: {  	_ =	shalt  }
0x6f: {  	_ =	shalt  }
0x70: {  	_ =	shalt  }
0x71: {  	_ =	shalt  }
0x72: {  	_ =	shalt  }
0x73: {  	_ =	shalt  }
0x74: {  	_ =	shalt  }
0x75: {  	_ =	shalt  }
0x76: {  	_ =	shalt  }
0x77: {  	_ =	shalt  }
0x78: {  	_ =	shalt  }
0x79: {  	_ =	shalt  }
0x7a: {  	_ =	shalt  }
0x7b: {  	_ =	shalt  }
0x7c: {  	_ =	shalt  }
0x7d: {  	_ =	shalt  }
0x7e: {  	_ =	shalt  }
0x7f: {  	_ =	shalt  }
0x80: {  	_ =	shalt  }
0x81: {  	_ =	shalt  }
0x82: {  	_ =	shalt  }
0x83: {  	_ =	shalt  }
0x84: {  	_ =	shalt  }
0x85: {  	_ =	shalt  }
0x86: {  	_ =	shalt  }
0x87: {  	_ =	shalt  }
.Lfunc_end0:
.L_simem_size_0:
called_computation_lowered:
.L_overlay_start_0:
0x88: {  	s2 =	sld [smem:$0x3FD9]  }
0x89: {  	s3 =	sld [smem:$0x3FFE];
	_ =	sdelay $0x1  }
0x8a: {  	s1 =	srdreg.scid  }
0x8b: {  	s0 =	sand.u32 $0x1, s1  }
0x8c: {  	s16 =	sshll.u32 s0, $0xA;
	s2 =	sadd.s32 s3, s2  }
0x8d: {  	s2 =	sadd.s32 s2, s16  }
0x8e: {  	[smem:$0x3FC3] =	sst s2  }
0x8f: {  	_ = 	snop  }
0x90: {  	(tm) =	ssettm $0x1  }
0x91: {  	s17 =	sld [smem:$0x3FFB];
	_ =	sdelay $0x3  }
0x92: {  	_ =	strace s17  }
0x93: {  	s2 =	sld [smem:$0x3FFC];
	_ =	sdelay $0x3  }
0x94: {  	_ =	strace s2  }
0x95: {  	s2 =	sld [smem:$0x3FFD];
	_ =	sdelay $0x3  }
0x96: {  	_ =	strace s2  }
0x97: {  	_ =	strace $0x8FFFFFFF  }
0x98: {  	s18 =	sld [smem:$0x3FDB];
	_ =	sdelay $0x1  }
0x99: {  	s19 =	simm.s32 $_scs_section_size  }
0x9a: {  	s4 =	simm.s32 $_size__tile_overlayer_lowered;
	s5 =	simm.s32 $_tile_overlayer_lowered  }
0x9b: {  	s22 =	simm.s32 $0x1BFF;
	s21 =	sshll.u32 s5, $0x1;
	s2 =	sadd.s32 s19, s18  }
0x9c: {  	s6 =	simm.s32 $0x0;
	s20 =	sshll.u32 s4, $0x1;
	s4 =	sadd.s32 s21, s2  }
0x9d: {  	[timem:s6], [sflag:s22] =	dma.local [hbm:s4], s20  }
0x9e: {  	_ =	swait.ge [sflag:s22], s20  }
0x9f: {  	s3 =	ssub.s32 $0x0, s20;
	[sflag:s22] =	ssyncset.done $0x0  }
0xa0: {  	[sflag:s22] =	ssyncadd.s32 s3;
	_ =	sdelay $0x1  }
0xa1: {  	s23 =	simm.s32 $0x1B8B  }
0xa2: {  	_ =	swait.ge [sflag:s23], $0x1  }
0xa3: {  	[sflag:s23] =	ssyncset.done $0x0  }
0xa4: {  	s25 =	simm.s32 $0x1B8E;
	s24 =	sld [smem:$0x3FFE];
	[sflag:s23] =	ssyncadd.s32 $0xFFFFFFFF  }
0xa5: {  	s26 =	simm.s32 $execute0_lowered;
	[smem:$0x3FD2] =	sst s25  }
0xa6: {  	s4 =	sshll.u32 s26, $0x1;
	_ =	strace $0x80000046;
	[dreg:$0x1] =	wrdreg $0xFFFFFFFF  }
0xa7: {  	s28 =	simm.s32 $_size_execute0_lowered;
	s2 =	sadd.s32 s2, s4;
	[dreg:$0x0] =	wrdreg $0x0  }
0xa8: {  	s4 =	sshll.u32 s28, $0x1;
	[dreg:$0x2] =	wrdreg s2  }
0xa9: {  	[dreg:$0x3] =	wrdreg s4  }
0xaa: {  	[dreg:$0x4] =	wrdreg $0xC0  }
0xab: {  	_ =	task [dreg:s6], $0x5FFFF  }
0xac: {  	[dreg:$0x1] =	wrdreg $0xFFFFFFFF  }
0xad: {  	[dreg:$0x0] =	wrdreg $0x60  }
0xae: {  	[dreg:$0x2] =	wrdreg s24  }
0xaf: {  	[dreg:$0x3] =	wrdreg $0x9  }
0xb0: {  	_ =	task.clear_ibuf [dreg:s6], $0x4FFFF;
	_ =	strace $0x90000046  }
0xb1: {  	s29 =	simm.s32 $0x9;
	_ =	strace $0x80000048  }
0xb2: {  	_ =	swait.ge [sflag:s29], $0x1  }
0xb3: {  	[sflag:s29] =	ssyncadd.s32 $0xFFFFFFFF  }
0xb4: {  	_ =	strace $0x90000048  }
0xb5: {  	_ =	sfence  }
0xb6: {  	s30 =	sld [smem:$0x0];
	_ =	sdelay $0x2  }
0xb7: {  	s31 =	sshll.u32 s1, $0xD;
	s1 =	sshrl.u32 s1, $0x2  }
0xb8: {  	s3 =	sand.u32 $0x4000, s31;
	s1 =	sadd.s32 s1, s30  }
0xb9: {  	s0 =	sor.u32 s3, s0;
	s1 =	sshll.u32 s1, $0x11  }
0xba: {  	s0 =	sor.u32 s1, s0  }
0xbb: {  	s0 =	sadd.s32 $0x8F2B, s0  }
0xbc: {  	[sflag:s0] =	ssyncadd.remote.s32 $0x1  }
0xbd: {  	_ =	sfence.sel $0xFFFF  }
0xbe: {  	[dreg:$0x0] =	wrdreg $0xFFFFFFFF;
	(pc) =	sbr.abs _section_cstart, $3  }
0xbf: {  	[dreg:$0x1] =	wrdreg $0xFFFFFFFF  }
0xc0: {  	_ =	task.clear_ibuf [dreg:s6], $0x2FFFF;
	_ =	strace $0x9FFFFFFF  }
0xc1: {  	(tm) =	ssettm $0x7FFFFFFF  }
tec
execute0_lowered:
.L_overlay_start_1:
0x0: {  	(tag) =	ssettag $0x1  }
0x1: {  	s1 =	srdreg.scid  }
0x2: {  	s0 =	stileid.u32;
	s1 =	sand.u32 $0x1, s1  }
0x3: {  	s2 =	sshll.u32 s0, $0x8;
	s3 =	sshll.u32 s1, $0x7  }
0x4: {  	s4 =	rddreg [dreg:$0x0];
	s3 =	sor.u32 s3, s2;
	s2 =	simm.s32 $0x0  }
0x5: {  	s24 =	simm.s32 $0x700;
	[smem:$0x7FF] =	sst s2  }
0x6: {  	s25 =	simm.s32 $0x90;
	_ =	strace $0x80000047;
	[dreg:$0xe] =	wrdreg s24  }
0x7: {  	s26 =	simm.s32 $0x2700;
	[dreg:$0xf] =	wrdreg s25  }
0x8: {  	s0 =	simm.s32 $0x110;
	[dreg:$0x10] =	wrdreg s26  }
0x9: {  	s7 =	simm.s32 $0x6700;
	[dreg:$0x11] =	wrdreg s0  }
0xa: {  	s8 =	simm.s32 $0x210;
	[dreg:$0x14] =	wrdreg s7  }
0xb: {  	s9 =	simm.s32 $0x8700;
	[dreg:$0x15] =	wrdreg s8  }
0xc: {  	s10 =	simm.s32 $0x290;
	[dreg:$0x16] =	wrdreg s9  }
0xd: {  	s11 =	simm.s32 $0xA700;
	[dreg:$0x17] =	wrdreg s10  }
0xe: {  	s12 =	simm.s32 $0x20;
	[dreg:$0x18] =	wrdreg s11  }
0xf: {  	s13 =	simm.s32 $0xB00;
	[dreg:$0x19] =	wrdreg s12  }
0x10: {  	s14 =	simm.s32 $0xA0;
	[dreg:$0x1a] =	wrdreg s13  }
0x11: {  	[dreg:$0x1b] =	wrdreg s14;
	s24 =	simm.s32 $0x30  }
0x12: {  	s25 =	simm.s32 $0xF00;
	[smem:$0x7CE] =	sst s24  }
0x13: {  	s26 =	simm.s32 $0xB0;
	[smem:$0x7CF] =	sst s25  }
0x14: {  	s0 =	simm.s32 $0x2F00;
	[smem:$0x7D0] =	sst s26  }
0x15: {  	s7 =	simm.s32 $0x1B0;
	[smem:$0x7D1] =	sst s0  }
0x16: {  	s8 =	simm.s32 $0x6F00;
	[smem:$0x7D4] =	sst s7  }
0x17: {  	s9 =	simm.s32 $0x230;
	[smem:$0x7D5] =	sst s8  }
0x18: {  	s10 =	simm.s32 $0x8F00;
	[smem:$0x7D6] =	sst s9  }
0x19: {  	s11 =	simm.s32 $0x2B0;
	[smem:$0x7D7] =	sst s10  }
0x1a: {  	s12 =	simm.s32 $0xAF00;
	[smem:$0x7D8] =	sst s11  }
0x1b: {  	s5 =	sshrl.u32 s3, $0x3;
	s13 =	simm.s32 $0x40;
	[smem:$0x7D9] =	sst s12  }
0x1c: {  	s5 =	sadd.s32 s5, s4;
	s14 =	simm.s32 $0x1300;
	[smem:$0x7DA] =	sst s13  }
0x1d: {  	s6 =	sadd.s32 $0x1400, s5;
	[smem:$0x7DB] =	sst s14  }
0x1e: {  	s15 =	sadd.s32 $0x1200, s5;
	[dreg:$0x2] =	wrdreg s6  }
0x1f: {  	s16 =	sadd.s32 $0x1000, s5;
	[dreg:$0x3] =	wrdreg s15  }
0x20: {  	s17 =	sadd.s32 $0xC00, s5;
	[dreg:$0x4] =	wrdreg s16  }
0x21: {  	s3 =	sshll.u32 s3, $0x3;
	s18 =	sadd.s32 $0xE00, s5;
	[dreg:$0x5] =	wrdreg s17  }
0x22: {  	s3 =	sadd.s32 s3, s4;
	s5 =	sadd.s32 $0x1600, s5;
	[dreg:$0x6] =	wrdreg s18  }
0x23: {  	s19 =	sadd.s32 $0x3800, s3;
	[dreg:$0x7] =	wrdreg s5  }
0x24: {  	s20 =	sadd.s32 $0xB800, s3;
	[dreg:$0x8] =	wrdreg s19  }
0x25: {  	s21 =	sadd.s32 $0x13800, s3;
	[dreg:$0x9] =	wrdreg s20  }
0x26: {  	s22 =	sadd.s32 $0x1B800, s3;
	[dreg:$0xa] =	wrdreg s21  }
0x27: {  	s23 =	sadd.s32 $0x23800, s3;
	[dreg:$0xb] =	wrdreg s22  }
0x28: {  	s3 =	sadd.s32 $0x2B800, s3;
	[dreg:$0xc] =	wrdreg s23  }
0x29: {  	s24 =	simm.s32 $0xB300;
	[dreg:$0xd] =	wrdreg s3  }
0x2a: {  	s25 =	simm.s32 $0x50;
	[smem:$0x7E5] =	sst s24  }
0x2b: {  	s26 =	simm.s32 $0x1700;
	[smem:$0x7E6] =	sst s25  }
0x2c: {  	s0 =	simm.s32 $0xD0;
	[smem:$0x7E7] =	sst s26  }
0x2d: {  	s7 =	simm.s32 $0x5700;
	[smem:$0x7E8] =	sst s0  }
0x2e: {  	s8 =	simm.s32 $0x1D0;
	[smem:$0x7EB] =	sst s7  }
0x2f: {  	s9 =	simm.s32 $0x7700;
	[smem:$0x7EC] =	sst s8  }
0x30: {  	s10 =	simm.s32 $0x250;
	[smem:$0x7ED] =	sst s9  }
0x31: {  	s12 =	simm.s32 $0x9700;
	[smem:$0x7EE] =	sst s10  }
0x32: {  	s13 =	simm.s32 $0x2D0;
	[smem:$0x7EF] =	sst s12  }
0x33: {  	s14 =	simm.s32 $0xB700;
	[smem:$0x7F0] =	sst s13  }
0x34: {  	s5 =	simm.s32 $0x4700;
	[smem:$0x7F1] =	sst s14  }
0x35: {  	s6 =	simm.s32 $0x190;
	[dreg:$0x12] =	wrdreg s5  }
0x36: {  	s15 =	simm.s32 $0x2B00;
	[dreg:$0x13] =	wrdreg s6  }
0x37: {  	s16 =	simm.s32 $0x120;
	[dreg:$0x1c] =	wrdreg s15  }
0x38: {  	s17 =	simm.s32 $0x4B00;
	[dreg:$0x1d] =	wrdreg s16  }
0x39: {  	s18 =	simm.s32 $0x1A0;
	[dreg:$0x1e] =	wrdreg s17  }
0x3a: {  	s19 =	simm.s32 $0x6B00;
	[dreg:$0x1f] =	wrdreg s18  }
0x3b: {  	s20 =	simm.s32 $0x220;
	[smem:$0x7C9] =	sst s19  }
0x3c: {  	s21 =	simm.s32 $0x8B00;
	[smem:$0x7CA] =	sst s20  }
0x3d: {  	s22 =	simm.s32 $0x2A0;
	[smem:$0x7CB] =	sst s21  }
0x3e: {  	s23 =	simm.s32 $0xAB00;
	[smem:$0x7CC] =	sst s22  }
0x3f: {  	s24 =	simm.s32 $0x9B00;
	[smem:$0x7CD] =	sst s23  }
0x40: {  	s25 =	simm.s32 $0x2E0;
	[smem:$0x7FB] =	sst s24  }
0x41: {  	s26 =	simm.s32 $0xBB00;
	[smem:$0x7FC] =	sst s25  }
0x42: {  	s5 =	simm.s32 $0x130;
	[smem:$0x7FD] =	sst s26  }
0x43: {  	s28 =	simm.s32 $0x270;
	s6 =	simm.s32 $0x4F00;
	[smem:$0x7D2] =	sst s5  }
0x44: {  	s29 =	simm.s32 $0x9F00;
	s15 =	simm.s32 $0xC0;
	[smem:$0x7D3] =	sst s6  }
0x45: {  	s30 =	simm.s32 $0x2F0;
	s16 =	simm.s32 $0x3300;
	[smem:$0x7DC] =	sst s15  }
0x46: {  	s31 =	simm.s32 $0xBF00;
	s17 =	simm.s32 $0x140;
	[smem:$0x7DD] =	sst s16  }
0x47: {  	s1 =	ssub.s32 $0x2, s1;
	s18 =	simm.s32 $0x5300;
	[smem:$0x7DE] =	sst s17  }
0x48: {  	s11 =	sshrl.u32 s1, $0x1;
	s19 =	simm.s32 $0x1C0;
	[smem:$0x7DF] =	sst s18  }
0x49: {  	s3 =	sadd.s32 $0xF43C00, s4;
	s20 =	simm.s32 $0x7300;
	[smem:$0x7E0] =	sst s19  }
0x4a: {  	s4 =	sadd.s32 $0x1800, s4;
	s21 =	simm.s32 $0x240;
	[smem:$0x7E1] =	sst s20  }
0x4b: {  	s1 =	ssub.s32 s1, s11;
	s22 =	simm.s32 $0x9300;
	[smem:$0x7E2] =	sst s21  }
0x4c: {  	s7 =	simm.s32 $0x80;
	s23 =	simm.s32 $0x2C0;
	[smem:$0x7E3] =	sst s22  }
0x4d: {  	s8 =	simm.s32 $0x100;
	[smem:$0x7E4] =	sst s23;
	s5 =	simm.s32 $0x3700  }
0x4e: {  	s9 =	simm.s32 $0x180;
	s6 =	simm.s32 $0x150;
	[smem:$0x7E9] =	sst s5  }
0x4f: {  	s10 =	simm.s32 $0x200;
	s15 =	simm.s32 $0x60;
	[smem:$0x7EA] =	sst s6  }
0x50: {  	s11 =	simm.s32 $0x280;
	s16 =	simm.s32 $0x1B00;
	[smem:$0x7F2] =	sst s15  }
0x51: {  	s12 =	simm.s32 $0x10;
	s17 =	simm.s32 $0xE0;
	[smem:$0x7F3] =	sst s16  }
0x52: {  	s13 =	simm.s32 $0x300;
	s18 =	simm.s32 $0x3B00;
	[smem:$0x7F4] =	sst s17  }
0x53: {  	s14 =	simm.s32 $0x2300;
	s19 =	simm.s32 $0x160;
	[smem:$0x7F5] =	sst s18  }
0x54: {  	s24 =	simm.s32 $0x5F00;
	s20 =	simm.s32 $0x5B00;
	[smem:$0x7F6] =	sst s19  }
0x55: {  	s25 =	simm.s32 $0x1F0;
	s21 =	simm.s32 $0x1E0;
	[smem:$0x7F7] =	sst s20  }
0x56: {  	s26 =	simm.s32 $0x7F00;
	s22 =	simm.s32 $0x7B00;
	[smem:$0x7F8] =	sst s21  }
0x57: {  	s23 =	simm.s32 $0x260;
	s5 =	smax.u32 s1, $0x1;
	[smem:$0x7F9] =	sst s22  }
0x58: {  	s6 =	simm.s32 $0x2;
	s15 =	simm.s32 $0x4300;
	[smem:$0x7FA] =	sst s23  }
0x59: {  	s16 =	simm.s32 $0x6300;
	s17 =	simm.s32 $0x8300;
	s18 =	simm.s32 $0xA300  }
0x5a: {  	s22 =	simm.s32 $0x3F00;
	s23 =	simm.s32 $0x170;
	s1 =	simm.s32 $0x1  }
.LBB2_1:
0x5b: {  	s0 =	rddreg [dreg:$0x2]  }
0x5c: {  	[tilespmem:s2], [sflag:$0x2] =	stream.linear.gather [hbm4b:s0+s2], $0x80, $0x38;
	[tilespmem:$0xC300] =	vst v63  }
0x5d: {  	_ =	swait.ge [sflag:s6], $0x80  }
0x5e: {  	[sflag:s6] =	ssyncset.done $0x0  }
0x5f: {  	s19 =	rddreg [dreg:$0x3];
	[sflag:s6] =	ssyncadd.s32 $0xFFFFFF80  }
0x60: {  	[tilespmem:s7], [sflag:$0x2] =	stream.linear.gather [hbm4b:s19+s2], $0x80, $0x38;
	[tilespmem:$0xC300] =	vst v63  }
0x61: {  	_ =	swait.ge [sflag:s6], $0x80  }
0x62: {  	[sflag:s6] =	ssyncset.done $0x0  }
0x63: {  	s20 =	rddreg [dreg:$0x4];
	[sflag:s6] =	ssyncadd.s32 $0xFFFFFF80  }
0x64: {  	[tilespmem:s8], [sflag:$0x2] =	stream.linear.gather [hbm4b:s20+s2], $0x80, $0x38;
	[tilespmem:$0xC300] =	vst v63  }
0x65: {  	_ =	swait.ge [sflag:s6], $0x80  }
0x66: {  	[sflag:s6] =	ssyncset.done $0x0  }
0x67: {  	s21 =	rddreg [dreg:$0x5];
	[sflag:s6] =	ssyncadd.s32 $0xFFFFFF80  }
0x68: {  	[tilespmem:s9], [sflag:$0x2] =	stream.linear.gather [hbm4b:s21+s2], $0x80, $0x38;
	[tilespmem:$0xC300] =	vst v63  }
0x69: {  	_ =	swait.ge [sflag:s6], $0x80  }
0x6a: {  	[sflag:s6] =	ssyncset.done $0x0  }
0x6b: {  	s19 =	rddreg [dreg:$0x6];
	[sflag:s6] =	ssyncadd.s32 $0xFFFFFF80  }
0x6c: {  	[tilespmem:s10], [sflag:$0x2] =	stream.linear.gather [hbm4b:s19+s2], $0x80, $0x38;
	[tilespmem:$0xC300] =	vst v63  }
0x6d: {  	_ =	swait.ge [sflag:s6], $0x80  }
0x6e: {  	[sflag:s6] =	ssyncset.done $0x0  }
0x6f: {  	s20 =	rddreg [dreg:$0x7];
	[sflag:s6] =	ssyncadd.s32 $0xFFFFFF80  }
0x70: {  	[tilespmem:s11], [sflag:$0x2] =	stream.linear.gather [hbm4b:s20+s2], $0x80, $0x38;
	[tilespmem:$0xC300] =	vst v63  }
0x71: {  	_ =	swait.ge [sflag:s6], $0x80  }
0x72: {  	[sflag:s6] =	ssyncset.done $0x0  }
0x73: {  	[sflag:s6] =	ssyncadd.s32 $0xFFFFFF80  }
0x74: {  	[tilespmem:s13], [sflag:$0x1] =	stream.indirect.gather [hbm4b:s3+s12], $0x40, s2, s12, $0xb8;
	[tilespmem:$0xC300] =	vst v63  }
0x75: {  	_ = 	snop  }
0x76: {  	[tilespmem:s14], [sflag:$0x1] =	stream.indirect.gather [hbm4b:s3+s12], $0x40, s7, s12, $0xb8;
	[tilespmem:$0xC300] =	vst v63  }
0x77: {  	_ = 	snop  }
0x78: {  	[tilespmem:s15], [sflag:$0x1] =	stream.indirect.gather [hbm4b:s3+s12], $0x40, s8, s12, $0xb8;
	[tilespmem:$0xC300] =	vst v63  }
0x79: {  	s21 =	rddreg [dreg:$0xe]  }
0x7a: {  	[tilespmem:s16], [sflag:$0x1] =	stream.indirect.gather [hbm4b:s3+s12], $0x40, s9, s12, $0xb8;
	[tilespmem:$0xC300] =	vst v63  }
0x7b: {  	s19 =	rddreg [dreg:$0xf]  }
0x7c: {  	[tilespmem:s17], [sflag:$0x1] =	stream.indirect.gather [hbm4b:s4+s12], $0x40, s10, s12, $0xb8;
	[tilespmem:$0xC300] =	vst v63  }
0x7d: {  	s20 =	rddreg [dreg:$0x10]  }
0x7e: {  	[tilespmem:s18], [sflag:$0x1] =	stream.indirect.gather [hbm4b:s4+s12], $0x40, s11, s12, $0xb8;
	[tilespmem:$0xC300] =	vst v63  }
0x7f: {  	s0 =	rddreg [dreg:$0x11]  }
0x80: {  	[tilespmem:s21], [sflag:$0x1] =	stream.indirect.gather [hbm4b:s3+s12], $0x40, s12, s12, $0xb8;
	[tilespmem:$0xC300] =	vst v63  }
0x81: {  	s21 =	rddreg [dreg:$0x14]  }
0x82: {  	[tilespmem:s20], [sflag:$0x1] =	stream.indirect.gather [hbm4b:s3+s12], $0x40, s19, s12, $0xb8;
	[tilespmem:$0xC300] =	vst v63  }
0x83: {  	s19 =	rddreg [dreg:$0x12]  }
0x84: {  	s20 =	rddreg [dreg:$0x13]  }
0x85: {  	[tilespmem:s19], [sflag:$0x1] =	stream.indirect.gather [hbm4b:s3+s12], $0x40, s0, s12, $0xb8;
	[tilespmem:$0xC300] =	vst v63  }
0x86: {  	s0 =	rddreg [dreg:$0x15]  }
0x87: {  	s19 =	rddreg [dreg:$0x16]  }
0x88: {  	[tilespmem:s21], [sflag:$0x1] =	stream.indirect.gather [hbm4b:s3+s12], $0x40, s20, s12, $0xb8;
	[tilespmem:$0xC300] =	vst v63  }
0x89: {  	s20 =	rddreg [dreg:$0x17]  }
0x8a: {  	s21 =	rddreg [dreg:$0x18]  }
0x8b: {  	[tilespmem:s19], [sflag:$0x1] =	stream.indirect.gather [hbm4b:s4+s12], $0x40, s0, s12, $0xb8;
	[tilespmem:$0xC300] =	vst v63  }
0x8c: {  	s0 =	rddreg [dreg:$0x19]  }
0x8d: {  	s19 =	rddreg [dreg:$0x1a]  }
0x8e: {  	[tilespmem:s21], [sflag:$0x1] =	stream.indirect.gather [hbm4b:s4+s12], $0x40, s20, s12, $0xb8;
	[tilespmem:$0xC300] =	vst v63  }
0x8f: {  	s20 =	rddreg [dreg:$0x1b]  }
0x90: {  	s21 =	rddreg [dreg:$0x1c]  }
0x91: {  	[tilespmem:s19], [sflag:$0x1] =	stream.indirect.gather [hbm4b:s3+s12], $0x40, s0, s12, $0xb8;
	[tilespmem:$0xC300] =	vst v63  }
0x92: {  	s0 =	rddreg [dreg:$0x1d]  }
0x93: {  	s19 =	rddreg [dreg:$0x1e]  }
0x94: {  	[tilespmem:s21], [sflag:$0x1] =	stream.indirect.gather [hbm4b:s3+s12], $0x40, s20, s12, $0xb8;
	[tilespmem:$0xC300] =	vst v63  }
0x95: {  	s20 =	rddreg [dreg:$0x1f]  }
0x96: {  	s21 =	sld [smem:$0x7C9]  }
0x97: {  	[tilespmem:s19], [sflag:$0x1] =	stream.indirect.gather [hbm4b:s3+s12], $0x40, s0, s12, $0xb8;
	[tilespmem:$0xC300] =	vst v63  }
0x98: {  	s0 =	sld [smem:$0x7CA]  }
0x99: {  	s19 =	sld [smem:$0x7CB]  }
0x9a: {  	[tilespmem:s21], [sflag:$0x1] =	stream.indirect.gather [hbm4b:s3+s12], $0x40, s20, s12, $0xb8;
	[tilespmem:$0xC300] =	vst v63  }
0x9b: {  	s20 =	sld [smem:$0x7CC]  }
0x9c: {  	s21 =	sld [smem:$0x7CD]  }
0x9d: {  	[tilespmem:s19], [sflag:$0x1] =	stream.indirect.gather [hbm4b:s4+s12], $0x40, s0, s12, $0xb8;
	[tilespmem:$0xC300] =	vst v63  }
0x9e: {  	s0 =	sld [smem:$0x7CE]  }
0x9f: {  	s19 =	sld [smem:$0x7CF]  }
0xa0: {  	[tilespmem:s21], [sflag:$0x1] =	stream.indirect.gather [hbm4b:s4+s12], $0x40, s20, s12, $0xb8;
	[tilespmem:$0xC300] =	vst v63  }
0xa1: {  	s20 =	sld [smem:$0x7D0]  }
0xa2: {  	s21 =	sld [smem:$0x7D1]  }
0xa3: {  	[tilespmem:s19], [sflag:$0x1] =	stream.indirect.gather [hbm4b:s3+s12], $0x40, s0, s12, $0xb8;
	[tilespmem:$0xC300] =	vst v63  }
0xa4: {  	s0 =	sld [smem:$0x7D2]  }
0xa5: {  	s19 =	sld [smem:$0x7D3]  }
0xa6: {  	[tilespmem:s21], [sflag:$0x1] =	stream.indirect.gather [hbm4b:s3+s12], $0x40, s20, s12, $0xb8;
	[tilespmem:$0xC300] =	vst v63  }
0xa7: {  	s20 =	sld [smem:$0x7D4]  }
0xa8: {  	s21 =	sld [smem:$0x7D5]  }
0xa9: {  	[tilespmem:s19], [sflag:$0x1] =	stream.indirect.gather [hbm4b:s3+s12], $0x40, s0, s12, $0xb8;
	[tilespmem:$0xC300] =	vst v63  }
0xaa: {  	s0 =	sld [smem:$0x7D6]  }
0xab: {  	s19 =	sld [smem:$0x7D7]  }
0xac: {  	[tilespmem:s21], [sflag:$0x1] =	stream.indirect.gather [hbm4b:s3+s12], $0x40, s20, s12, $0xb8;
	[tilespmem:$0xC300] =	vst v63  }
0xad: {  	s20 =	sld [smem:$0x7D8]  }
0xae: {  	s21 =	sld [smem:$0x7D9]  }
0xaf: {  	[tilespmem:s19], [sflag:$0x1] =	stream.indirect.gather [hbm4b:s4+s12], $0x40, s0, s12, $0xb8;
	[tilespmem:$0xC300] =	vst v63  }
0xb0: {  	s0 =	sld [smem:$0x7DA]  }
0xb1: {  	s19 =	sld [smem:$0x7DB]  }
0xb2: {  	[tilespmem:s21], [sflag:$0x1] =	stream.indirect.gather [hbm4b:s4+s12], $0x40, s20, s12, $0xb8;
	[tilespmem:$0xC300] =	vst v63  }
0xb3: {  	s20 =	sld [smem:$0x7DC]  }
0xb4: {  	s21 =	sld [smem:$0x7DD]  }
0xb5: {  	[tilespmem:s19], [sflag:$0x1] =	stream.indirect.gather [hbm4b:s3+s12], $0x40, s0, s12, $0xb8;
	[tilespmem:$0xC300] =	vst v63  }
0xb6: {  	s0 =	sld [smem:$0x7DE]  }
0xb7: {  	s19 =	sld [smem:$0x7DF]  }
0xb8: {  	[tilespmem:s21], [sflag:$0x1] =	stream.indirect.gather [hbm4b:s3+s12], $0x40, s20, s12, $0xb8;
	[tilespmem:$0xC300] =	vst v63  }
0xb9: {  	s20 =	sld [smem:$0x7E0]  }
0xba: {  	s21 =	sld [smem:$0x7E1]  }
0xbb: {  	[tilespmem:s19], [sflag:$0x1] =	stream.indirect.gather [hbm4b:s3+s12], $0x40, s0, s12, $0xb8;
	[tilespmem:$0xC300] =	vst v63  }
0xbc: {  	s0 =	sld [smem:$0x7E2]  }
0xbd: {  	s19 =	sld [smem:$0x7E3]  }
0xbe: {  	[tilespmem:s21], [sflag:$0x1] =	stream.indirect.gather [hbm4b:s3+s12], $0x40, s20, s12, $0xb8;
	[tilespmem:$0xC300] =	vst v63  }
0xbf: {  	s20 =	sld [smem:$0x7E4]  }
0xc0: {  	s21 =	sld [smem:$0x7E5]  }
0xc1: {  	[tilespmem:s19], [sflag:$0x1] =	stream.indirect.gather [hbm4b:s4+s12], $0x40, s0, s12, $0xb8;
	[tilespmem:$0xC300] =	vst v63  }
0xc2: {  	s0 =	sld [smem:$0x7E6]  }
0xc3: {  	s19 =	sld [smem:$0x7E7]  }
0xc4: {  	[tilespmem:s21], [sflag:$0x1] =	stream.indirect.gather [hbm4b:s4+s12], $0x40, s20, s12, $0xb8;
	[tilespmem:$0xC300] =	vst v63  }
0xc5: {  	s20 =	sld [smem:$0x7E8]  }
0xc6: {  	s21 =	sld [smem:$0x7E9]  }
0xc7: {  	[tilespmem:s19], [sflag:$0x1] =	stream.indirect.gather [hbm4b:s3+s12], $0x40, s0, s12, $0xb8;
	[tilespmem:$0xC300] =	vst v63  }
0xc8: {  	s0 =	sld [smem:$0x7EA]  }
0xc9: {  	s19 =	sld [smem:$0x7EB]  }
0xca: {  	[tilespmem:s21], [sflag:$0x1] =	stream.indirect.gather [hbm4b:s3+s12], $0x40, s20, s12, $0xb8;
	[tilespmem:$0xC300] =	vst v63  }
0xcb: {  	s20 =	sld [smem:$0x7EC]  }
0xcc: {  	s21 =	sld [smem:$0x7ED]  }
0xcd: {  	[tilespmem:s19], [sflag:$0x1] =	stream.indirect.gather [hbm4b:s3+s12], $0x40, s0, s12, $0xb8;
	[tilespmem:$0xC300] =	vst v63  }
0xce: {  	s0 =	sld [smem:$0x7EE]  }
0xcf: {  	s19 =	sld [smem:$0x7EF]  }
0xd0: {  	[tilespmem:s21], [sflag:$0x1] =	stream.indirect.gather [hbm4b:s3+s12], $0x40, s20, s12, $0xb8;
	[tilespmem:$0xC300] =	vst v63  }
0xd1: {  	s20 =	sld [smem:$0x7F0]  }
0xd2: {  	s21 =	sld [smem:$0x7F1]  }
0xd3: {  	[tilespmem:s19], [sflag:$0x1] =	stream.indirect.gather [hbm4b:s4+s12], $0x40, s0, s12, $0xb8;
	[tilespmem:$0xC300] =	vst v63  }
0xd4: {  	s0 =	sld [smem:$0x7F2]  }
0xd5: {  	s19 =	sld [smem:$0x7F3]  }
0xd6: {  	[tilespmem:s21], [sflag:$0x1] =	stream.indirect.gather [hbm4b:s4+s12], $0x40, s20, s12, $0xb8;
	[tilespmem:$0xC300] =	vst v63  }
0xd7: {  	s20 =	sld [smem:$0x7F4]  }
0xd8: {  	s21 =	sld [smem:$0x7F5]  }
0xd9: {  	[tilespmem:s19], [sflag:$0x1] =	stream.indirect.gather [hbm4b:s3+s12], $0x40, s0, s12, $0xb8;
	[tilespmem:$0xC300] =	vst v63  }
0xda: {  	s0 =	sld [smem:$0x7F6]  }
0xdb: {  	s19 =	sld [smem:$0x7F7]  }
0xdc: {  	[tilespmem:s21], [sflag:$0x1] =	stream.indirect.gather [hbm4b:s3+s12], $0x40, s20, s12, $0xb8;
	[tilespmem:$0xC300] =	vst v63  }
0xdd: {  	s20 =	sld [smem:$0x7F8]  }
0xde: {  	s21 =	sld [smem:$0x7F9]  }
0xdf: {  	[tilespmem:s19], [sflag:$0x1] =	stream.indirect.gather [hbm4b:s3+s12], $0x40, s0, s12, $0xb8;
	[tilespmem:$0xC300] =	vst v63  }
0xe0: {  	s0 =	sld [smem:$0x7FA]  }
0xe1: {  	s19 =	sld [smem:$0x7FB]  }
0xe2: {  	[tilespmem:s21], [sflag:$0x1] =	stream.indirect.gather [hbm4b:s3+s12], $0x40, s20, s12, $0xb8;
	[tilespmem:$0xC300] =	vst v63  }
0xe3: {  	s20 =	sld [smem:$0x7FC]  }
0xe4: {  	s21 =	sld [smem:$0x7FD]  }
0xe5: {  	[tilespmem:s19], [sflag:$0x1] =	stream.indirect.gather [hbm4b:s4+s12], $0x40, s0, s12, $0xb8;
	[tilespmem:$0xC300] =	vst v63  }
0xe6: {  	_ = 	snop  }
0xe7: {  	[tilespmem:s21], [sflag:$0x1] =	stream.indirect.gather [hbm4b:s4+s12], $0x40, s20, s12, $0xb8;
	[tilespmem:$0xC300] =	vst v63  }
0xe8: {  	s19 =	simm.s32 $0x70;
	s20 =	simm.s32 $0x1F00  }
0xe9: {  	[tilespmem:s20], [sflag:$0x1] =	stream.indirect.gather [hbm4b:s3+s12], $0x40, s19, s12, $0xb8;
	[tilespmem:$0xC300] =	vst v63  }
0xea: {  	s21 =	simm.s32 $0xF0  }
0xeb: {  	[tilespmem:s22], [sflag:$0x1] =	stream.indirect.gather [hbm4b:s3+s12], $0x40, s21, s12, $0xb8;
	[tilespmem:$0xC300] =	vst v63  }
0xec: {  	_ = 	snop  }
0xed: {  	[tilespmem:s24], [sflag:$0x1] =	stream.indirect.gather [hbm4b:s3+s12], $0x40, s23, s12, $0xb8;
	[tilespmem:$0xC300] =	vst v63  }
0xee: {  	_ = 	snop  }
0xef: {  	[tilespmem:s26], [sflag:$0x1] =	stream.indirect.gather [hbm4b:s3+s12], $0x40, s25, s12, $0xb8;
	[tilespmem:$0xC300] =	vst v63  }
0xf0: {  	_ = 	snop  }
0xf1: {  	[tilespmem:s29], [sflag:$0x1] =	stream.indirect.gather [hbm4b:s4+s12], $0x40, s28, s12, $0xb8;
	[tilespmem:$0xC300] =	vst v63  }
0xf2: {  	_ = 	snop  }
0xf3: {  	[tilespmem:s31], [sflag:$0x1] =	stream.indirect.gather [hbm4b:s4+s12], $0x40, s30, s12, $0xb8;
	[tilespmem:$0xC300] =	vst v63  }
0xf4: {  	_ =	swait.ge [sflag:s1], $0x400  }
0xf5: {  	[sflag:s1] =	ssyncset.done $0x0  }
0xf6: {  	[sflag:s1] =	ssyncadd.s32 $0xFFFFFC00  }
0xf7: {  	_ =	swait.ge [sflag:s1], $0x400  }
0xf8: {  	[sflag:s1] =	ssyncset.done $0x0  }
0xf9: {  	[sflag:s1] =	ssyncadd.s32 $0xFFFFFC00  }
0xfa: {  	_ =	swait.ge [sflag:s1], $0x400  }
0xfb: {  	[sflag:s1] =	ssyncset.done $0x0  }
0xfc: {  	[sflag:s1] =	ssyncadd.s32 $0xFFFFFC00  }
0xfd: {  	_ =	swait.ge [sflag:s1], $0x400  }
0xfe: {  	[sflag:s1] =	ssyncset.done $0x0  }
0xff: {  	[sflag:s1] =	ssyncadd.s32 $0xFFFFFC00  }
0x100: {  	_ =	swait.ge [sflag:s1], $0x400  }
0x101: {  	[sflag:s1] =	ssyncset.done $0x0  }
0x102: {  	[sflag:s1] =	ssyncadd.s32 $0xFFFFFC00  }
0x103: {  	_ =	swait.ge [sflag:s1], $0x400  }
0x104: {  	[sflag:s1] =	ssyncset.done $0x0  }
0x105: {  	[sflag:s1] =	ssyncadd.s32 $0xFFFFFC00  }
0x106: {  	_ =	swait.ge [sflag:s1], $0x400  }
0x107: {  	[sflag:s1] =	ssyncset.done $0x0  }
0x108: {  	[sflag:s1] =	ssyncadd.s32 $0xFFFFFC00  }
0x109: {  	_ =	swait.ge [sflag:s1], $0x400  }
0x10a: {  	[sflag:s1] =	ssyncset.done $0x0  }
0x10b: {  	[sflag:s1] =	ssyncadd.s32 $0xFFFFFC00  }
0x10c: {  	_ =	swait.ge [sflag:s1], $0x400  }
0x10d: {  	[sflag:s1] =	ssyncset.done $0x0  }
0x10e: {  	[sflag:s1] =	ssyncadd.s32 $0xFFFFFC00  }
0x10f: {  	_ =	swait.ge [sflag:s1], $0x400  }
0x110: {  	[sflag:s1] =	ssyncset.done $0x0  }
0x111: {  	[sflag:s1] =	ssyncadd.s32 $0xFFFFFC00  }
0x112: {  	_ =	swait.ge [sflag:s1], $0x400  }
0x113: {  	[sflag:s1] =	ssyncset.done $0x0  }
0x114: {  	[sflag:s1] =	ssyncadd.s32 $0xFFFFFC00  }
0x115: {  	_ =	swait.ge [sflag:s1], $0x400  }
0x116: {  	[sflag:s1] =	ssyncset.done $0x0  }
0x117: {  	[sflag:s1] =	ssyncadd.s32 $0xFFFFFC00  }
0x118: {  	_ =	swait.ge [sflag:s1], $0x400  }
0x119: {  	[sflag:s1] =	ssyncset.done $0x0  }
0x11a: {  	[sflag:s1] =	ssyncadd.s32 $0xFFFFFC00  }
0x11b: {  	_ =	swait.ge [sflag:s1], $0x400  }
0x11c: {  	[sflag:s1] =	ssyncset.done $0x0  }
0x11d: {  	[sflag:s1] =	ssyncadd.s32 $0xFFFFFC00  }
0x11e: {  	_ =	swait.ge [sflag:s1], $0x400  }
0x11f: {  	[sflag:s1] =	ssyncset.done $0x0  }
0x120: {  	[sflag:s1] =	ssyncadd.s32 $0xFFFFFC00  }
0x121: {  	_ =	swait.ge [sflag:s1], $0x400  }
0x122: {  	[sflag:s1] =	ssyncset.done $0x0  }
0x123: {  	[sflag:s1] =	ssyncadd.s32 $0xFFFFFC00  }
0x124: {  	_ =	swait.ge [sflag:s1], $0x400  }
0x125: {  	[sflag:s1] =	ssyncset.done $0x0  }
0x126: {  	[sflag:s1] =	ssyncadd.s32 $0xFFFFFC00  }
0x127: {  	_ =	swait.ge [sflag:s1], $0x400  }
0x128: {  	[sflag:s1] =	ssyncset.done $0x0  }
0x129: {  	[sflag:s1] =	ssyncadd.s32 $0xFFFFFC00  }
0x12a: {  	_ =	swait.ge [sflag:s1], $0x400  }
0x12b: {  	[sflag:s1] =	ssyncset.done $0x0  }
0x12c: {  	[sflag:s1] =	ssyncadd.s32 $0xFFFFFC00  }
0x12d: {  	_ =	swait.ge [sflag:s1], $0x400  }
0x12e: {  	[sflag:s1] =	ssyncset.done $0x0  }
0x12f: {  	[sflag:s1] =	ssyncadd.s32 $0xFFFFFC00  }
0x130: {  	_ =	swait.ge [sflag:s1], $0x400  }
0x131: {  	[sflag:s1] =	ssyncset.done $0x0  }
0x132: {  	[sflag:s1] =	ssyncadd.s32 $0xFFFFFC00  }
0x133: {  	_ =	swait.ge [sflag:s1], $0x400  }
0x134: {  	[sflag:s1] =	ssyncset.done $0x0  }
0x135: {  	[sflag:s1] =	ssyncadd.s32 $0xFFFFFC00  }
0x136: {  	_ =	swait.ge [sflag:s1], $0x400  }
0x137: {  	[sflag:s1] =	ssyncset.done $0x0  }
0x138: {  	[sflag:s1] =	ssyncadd.s32 $0xFFFFFC00  }
0x139: {  	_ =	swait.ge [sflag:s1], $0x400  }
0x13a: {  	[sflag:s1] =	ssyncset.done $0x0  }
0x13b: {  	[sflag:s1] =	ssyncadd.s32 $0xFFFFFC00  }
0x13c: {  	_ =	swait.ge [sflag:s1], $0x400  }
0x13d: {  	[sflag:s1] =	ssyncset.done $0x0  }
0x13e: {  	[sflag:s1] =	ssyncadd.s32 $0xFFFFFC00  }
0x13f: {  	_ =	swait.ge [sflag:s1], $0x400  }
0x140: {  	[sflag:s1] =	ssyncset.done $0x0  }
0x141: {  	[sflag:s1] =	ssyncadd.s32 $0xFFFFFC00  }
0x142: {  	_ =	swait.ge [sflag:s1], $0x400  }
0x143: {  	[sflag:s1] =	ssyncset.done $0x0  }
0x144: {  	[sflag:s1] =	ssyncadd.s32 $0xFFFFFC00  }
0x145: {  	_ =	swait.ge [sflag:s1], $0x400  }
0x146: {  	[sflag:s1] =	ssyncset.done $0x0  }
0x147: {  	[sflag:s1] =	ssyncadd.s32 $0xFFFFFC00  }
0x148: {  	_ =	swait.ge [sflag:s1], $0x400  }
0x149: {  	[sflag:s1] =	ssyncset.done $0x0  }
0x14a: {  	[sflag:s1] =	ssyncadd.s32 $0xFFFFFC00  }
0x14b: {  	_ =	swait.ge [sflag:s1], $0x400  }
0x14c: {  	[sflag:s1] =	ssyncset.done $0x0  }
0x14d: {  	[sflag:s1] =	ssyncadd.s32 $0xFFFFFC00  }
0x14e: {  	_ =	swait.ge [sflag:s1], $0x400  }
0x14f: {  	[sflag:s1] =	ssyncset.done $0x0  }
0x150: {  	[sflag:s1] =	ssyncadd.s32 $0xFFFFFC00  }
0x151: {  	_ =	swait.ge [sflag:s1], $0x400  }
0x152: {  	[sflag:s1] =	ssyncset.done $0x0  }
0x153: {  	[sflag:s1] =	ssyncadd.s32 $0xFFFFFC00  }
0x154: {  	_ =	swait.ge [sflag:s1], $0x400  }
0x155: {  	[sflag:s1] =	ssyncset.done $0x0  }
0x156: {  	[sflag:s1] =	ssyncadd.s32 $0xFFFFFC00  }
0x157: {  	_ =	swait.ge [sflag:s1], $0x400  }
0x158: {  	[sflag:s1] =	ssyncset.done $0x0  }
0x159: {  	[sflag:s1] =	ssyncadd.s32 $0xFFFFFC00  }
0x15a: {  	_ =	swait.ge [sflag:s1], $0x400  }
0x15b: {  	[sflag:s1] =	ssyncset.done $0x0  }
0x15c: {  	[sflag:s1] =	ssyncadd.s32 $0xFFFFFC00  }
0x15d: {  	_ =	swait.ge [sflag:s1], $0x400  }
0x15e: {  	[sflag:s1] =	ssyncset.done $0x0  }
0x15f: {  	[sflag:s1] =	ssyncadd.s32 $0xFFFFFC00  }
0x160: {  	_ =	swait.ge [sflag:s1], $0x400  }
0x161: {  	[sflag:s1] =	ssyncset.done $0x0  }
0x162: {  	[sflag:s1] =	ssyncadd.s32 $0xFFFFFC00  }
0x163: {  	_ =	swait.ge [sflag:s1], $0x400  }
0x164: {  	[sflag:s1] =	ssyncset.done $0x0  }
0x165: {  	[sflag:s1] =	ssyncadd.s32 $0xFFFFFC00  }
0x166: {  	_ =	swait.ge [sflag:s1], $0x400  }
0x167: {  	[sflag:s1] =	ssyncset.done $0x0  }
0x168: {  	[sflag:s1] =	ssyncadd.s32 $0xFFFFFC00  }
0x169: {  	_ =	swait.ge [sflag:s1], $0x400  }
0x16a: {  	[sflag:s1] =	ssyncset.done $0x0  }
0x16b: {  	[sflag:s1] =	ssyncadd.s32 $0xFFFFFC00  }
0x16c: {  	_ =	swait.ge [sflag:s1], $0x400  }
0x16d: {  	[sflag:s1] =	ssyncset.done $0x0  }
0x16e: {  	[sflag:s1] =	ssyncadd.s32 $0xFFFFFC00  }
0x16f: {  	_ =	swait.ge [sflag:s1], $0x400  }
0x170: {  	[sflag:s1] =	ssyncset.done $0x0  }
0x171: {  	[sflag:s1] =	ssyncadd.s32 $0xFFFFFC00  }
0x172: {  	_ =	swait.ge [sflag:s1], $0x400  }
0x173: {  	[sflag:s1] =	ssyncset.done $0x0  }
0x174: {  	[sflag:s1] =	ssyncadd.s32 $0xFFFFFC00  }
0x175: {  	_ =	swait.ge [sflag:s1], $0x400  }
0x176: {  	[sflag:s1] =	ssyncset.done $0x0  }
0x177: {  	[sflag:s1] =	ssyncadd.s32 $0xFFFFFC00  }
0x178: {  	_ =	swait.ge [sflag:s1], $0x400  }
0x179: {  	[sflag:s1] =	ssyncset.done $0x0  }
0x17a: {  	[sflag:s1] =	ssyncadd.s32 $0xFFFFFC00  }
0x17b: {  	_ =	swait.ge [sflag:s1], $0x400  }
0x17c: {  	[sflag:s1] =	ssyncset.done $0x0  }
0x17d: {  	[sflag:s1] =	ssyncadd.s32 $0xFFFFFC00  }
0x17e: {  	_ =	swait.ge [sflag:s1], $0x400  }
0x17f: {  	[sflag:s1] =	ssyncset.done $0x0  }
0x180: {  	[sflag:s1] =	ssyncadd.s32 $0xFFFFFC00  }
0x181: {  	_ =	swait.ge [sflag:s1], $0x400  }
0x182: {  	[sflag:s1] =	ssyncset.done $0x0  }
0x183: {  	s19 =	rddreg [dreg:$0x8];
	[sflag:s1] =	ssyncadd.s32 $0xFFFFFC00  }
0x184: {  	[hbm4b:s19+s2] =	stream.linear.scatter [tilespmem:s13], [sflag:$0x2], $0x2000, $0x38;
	[tilespmem:$0xC300] =	vst v63  }
0x185: {  	_ =	swait.ge [sflag:s6], $0x2000  }
0x186: {  	[sflag:s6] =	ssyncset.done $0x0  }
0x187: {  	s20 =	rddreg [dreg:$0x9];
	[sflag:s6] =	ssyncadd.s32 $0xFFFFE000  }
0x188: {  	[hbm4b:s20+s2] =	stream.linear.scatter [tilespmem:s14], [sflag:$0x2], $0x2000, $0x38;
	[tilespmem:$0xC300] =	vst v63  }
0x189: {  	_ =	swait.ge [sflag:s6], $0x2000  }
0x18a: {  	[sflag:s6] =	ssyncset.done $0x0  }
0x18b: {  	s21 =	rddreg [dreg:$0xa];
	[sflag:s6] =	ssyncadd.s32 $0xFFFFE000  }
0x18c: {  	[hbm4b:s21+s2] =	stream.linear.scatter [tilespmem:s15], [sflag:$0x2], $0x2000, $0x38;
	[tilespmem:$0xC300] =	vst v63  }
0x18d: {  	_ =	swait.ge [sflag:s6], $0x2000  }
0x18e: {  	[sflag:s6] =	ssyncset.done $0x0  }
0x18f: {  	s19 =	rddreg [dreg:$0xb];
	[sflag:s6] =	ssyncadd.s32 $0xFFFFE000  }
0x190: {  	[hbm4b:s19+s2] =	stream.linear.scatter [tilespmem:s16], [sflag:$0x2], $0x2000, $0x38;
	[tilespmem:$0xC300] =	vst v63  }
0x191: {  	_ =	swait.ge [sflag:s6], $0x2000  }
0x192: {  	[sflag:s6] =	ssyncset.done $0x0  }
0x193: {  	s20 =	rddreg [dreg:$0xc];
	[sflag:s6] =	ssyncadd.s32 $0xFFFFE000  }
0x194: {  	[hbm4b:s20+s2] =	stream.linear.scatter [tilespmem:s17], [sflag:$0x2], $0x2000, $0x38;
	[tilespmem:$0xC300] =	vst v63  }
0x195: {  	_ =	swait.ge [sflag:s6], $0x2000  }
0x196: {  	p0 =	sne.s32 s5, $0x1;
	[sflag:s6] =	ssyncset.done $0x0  }
.Ltmp0:
0x197: {  	s21 =	rddreg [dreg:$0xd];
	[sflag:s6] =	ssyncadd.s32 $0xFFFFE000;
	(pc) =	sbr.rel @p0 .LBB2_1-.Ltmp0, $4  }
0x198: {  	[hbm4b:s21+s2] =	stream.linear.scatter [tilespmem:s18], [sflag:$0x2], $0x2000, $0x38;
	[tilespmem:$0xC300] =	vst v63  }
0x199: {  	_ =	swait.ge [sflag:s6], $0x2000  }
0x19a: {  	[sflag:s6] =	ssyncset.done $0x0  }
0x19b: {  	s5 =	sadd.s32 $0xFFFFFFFF, s5;
	[sflag:s6] =	ssyncadd.s32 $0xFFFFE000  }
0x19c: {  	_ =	sfence.sel $0x180000  }
0x19d: {  	[bflag:$0x0] =	sbarrier.arrive $0xFFFF  }
0x19e: {  	_ =	strace $0x90000047  }
0x19f: {  	s0 =	stileid.u32;
	[bflag:$0x2] =	sbarrier.arrive $0xFFFF  }
0x1a0: {  	p0 =	sne.s32 s0, $0x0;
	s0 =	rddreg [dreg:$0x1]  }
0x1a1: {  	s0 =	sadd.s32 @!p0 $0x100000, s0  }
0x1a2: {  	[sflag:s0] =	ssyncadd.tile.s32 @!p0 $0x1;
	_ =	shalt  }
.Lfunc_end2:
_tile_overlayer_lowered:
.L_overlay_start_2:
0x1a3: {  	(tag) =	ssettag $0x2  }
0x1a4: {  	s0 =	rddreg [dreg:$0x0];
	s2 =	stileid.u32  }
0x1a5: {  	s1 =	rddreg [dreg:$0x1];
	p0 =	sne.s32 s2, $0x0  }
0x1a6: {  	s3 =	rddreg [dreg:$0x2];
	[bflag:$0x3] =	sbarrier.arrive $0xFFFF;
	s2 =	simm.s32 @!p0 $0x1C02  }
0x1a7: {  	[timem:s3], [sflag:s2] =	dma.local @!p0 [hbm:s0], s1  }
0x1a8: {  	s0 =	simm.s32 @!p0 $0x2  }
0x1a9: {  	_ =	swait.ge @!p0 [sflag:s0], s1  }
0x1aa: {  	s1 =	ssub.s32 @!p0 $0x0, s1;
	[sflag:s0] =	ssyncset.done @!p0 $0x0  }
0x1ab: {  	[sflag:s0] =	ssyncadd.s32 @!p0 s1  }
0x1ac: {  	[bflag:$0x3] =	sbarrier.arrive $0xFFFF  }
0x1ad: {  	_ =	shalt  }

</sc_bundles>
